<compile_context>
chip_gen: v7x
topology: tpu7x:2x2x1
jax: 0.10.2.dev20260603
libtpu: 0.0.44.dev20260713+nightly
codegen_flags: <defaults>
</compile_context>

<pallas_src>
import functools

import jax
import jax.numpy as jnp
from jax import lax
from jax.experimental import pallas as pl
from jax.experimental.pallas import tpu as pltpu
from jax.experimental.pallas import tpu_sc as plsc

_R = 256
_BIG = 1.0e30
_PADC = 1.0e4
_NW = 32
_L = 16


def _knn_body(npad, keys_ref, q_ref, out_ref):
    i = pl.program_id(0)

    sqk = keys_ref[4:5, :]
    q = q_ref[...]
    sqq = q[:, 3:4]
    dot = jax.lax.dot_general(q, keys_ref[...],
                              (((1,), (0,)), ((), ())),
                              preferred_element_type=jnp.float32)
    dist = (sqq + sqk) - 2.0 * dot

    colf = keys_ref[5:6, :]
    rowf = (i * _R + lax.broadcasted_iota(jnp.int32, (_R, 1), 0)
            ).astype(jnp.float32)
    dist = jnp.where(colf == rowf, _BIG, dist)

    for k in range(3):
        m = jnp.min(dist, axis=1, keepdims=True)
        idxf = jnp.min(jnp.where(dist <= m, colf, 1.0e9),
                       axis=1, keepdims=True)
        out_ref[:, k:k + 1] = idxf.astype(jnp.int32)
        if k < 2:
            dist = jnp.where(colf == idxf, _BIG, dist)


def _rsqrt(s):
    s = jnp.maximum(s, 1e-35)
    h = 0.5 * s
    i = plsc.bitcast(s, jnp.int32)
    i = 0x5F3759DF - (i >> 1)
    y = plsc.bitcast(i, jnp.float32)
    for _ in range(3):
        y = y * (1.5 - h * y * y)
    return y


def _sc_body(npad, chunk, px_hbm, py_hbm, pz_hbm, c0_hbm, c1_hbm, c2_hbm,
             *refs):
    o_hbm = refs[0:9]
    px_v, py_v, pz_v, c0_v, c1_v, c2_v = refs[9:15]
    o_v = refs[15:24]
    wid = lax.axis_index("c") * (_NW // 2) + lax.axis_index("s")
    base = wid * chunk
    pltpu.sync_copy(px_hbm, px_v)
    pltpu.sync_copy(py_hbm, py_v)
    pltpu.sync_copy(pz_hbm, pz_v)
    pltpu.sync_copy(c0_hbm.at[pl.ds(base, chunk)], c0_v)
    pltpu.sync_copy(c1_hbm.at[pl.ds(base, chunk)], c1_v)
    pltpu.sync_copy(c2_hbm.at[pl.ds(base, chunk)], c2_v)

    eps = 1e-12

    def step(j, carry):
        off = j * _L
        i0 = c0_v[pl.ds(off, _L)]
        i1 = c1_v[pl.ds(off, _L)]
        i2 = c2_v[pl.ds(off, _L)]
        qx = px_v[pl.ds(base + off, _L)]
        qy = py_v[pl.ds(base + off, _L)]
        qz = pz_v[pl.ds(base + off, _L)]

        xx = plsc.load_gather(px_v, [i0]) - qx
        xy = plsc.load_gather(py_v, [i0]) - qy
        xz = plsc.load_gather(pz_v, [i0]) - qz
        yx = plsc.load_gather(px_v, [i1]) - qx
        yy = plsc.load_gather(py_v, [i1]) - qy
        yz = plsc.load_gather(pz_v, [i1]) - qz
        zx = plsc.load_gather(px_v, [i2]) - qx
        zy = plsc.load_gather(py_v, [i2]) - qy
        zz = plsc.load_gather(pz_v, [i2]) - qz

        s1 = xx * xx + xy * xy + xz * xz
        n1 = s1 * _rsqrt(s1) + eps
        e1x, e1y, e1z = xx / n1, xy / n1, xz / n1

        yd = yx * e1x + yy * e1y + yz * e1z
        ux, uy, uz = yx - yd * e1x, yy - yd * e1y, yz - yd * e1z
        s2 = ux * ux + uy * uy + uz * uz
        n2 = s2 * _rsqrt(s2) + eps
        e2x, e2y, e2z = ux / n2, uy / n2, uz / n2

        zd1 = zx * e1x + zy * e1y + zz * e1z
        zd2 = zx * e2x + zy * e2y + zz * e2z
        vx = zx - zd1 * e1x - zd2 * e2x
        vy = zy - zd1 * e1y - zd2 * e2y
        vz = zz - zd1 * e1z - zd2 * e2z
        s3 = vx * vx + vy * vy + vz * vz
        n3 = s3 * _rsqrt(s3) + eps
        e3x, e3y, e3z = vx / n3, vy / n3, vz / n3

        for k, v in enumerate((e1x, e1y, e1z, e2x, e2y, e2z,
                               e3x, e3y, e3z)):
            o_v[k][pl.ds(off, _L)] = v
        return carry

    lax.fori_loop(0, chunk // _L, step, 0)

    for k in range(9):
        pltpu.sync_copy(o_v[k], o_hbm[k].at[pl.ds(base, chunk)])


@jax.jit
def kernel(pos):
    n = pos.shape[0]
    align = max(_R, _NW * _L)
    npad = -(-n // align) * align

    sq = jnp.sum(pos * pos, axis=1)

    keys = jnp.zeros((8, npad), jnp.float32)
    keys = keys.at[0:3, :n].set(pos.T)
    keys = keys.at[0:3, n:].set(_PADC)
    keys = keys.at[4, :n].set(sq)
    keys = keys.at[4, n:].set(3.0e8)
    keys = keys.at[5, :].set(jnp.arange(npad, dtype=jnp.float32))

    prow = jnp.zeros((npad, 8), jnp.float32)
    prow = prow.at[:n, 0:3].set(pos)
    prow = prow.at[:n, 3].set(sq)

    idx = pl.pallas_call(
        functools.partial(_knn_body, npad),
        grid=(npad // _R,),
        in_specs=[
            pl.BlockSpec((8, npad), lambda i: (0, 0)),
            pl.BlockSpec((_R, 8), lambda i: (i, 0)),
        ],
        out_specs=pl.BlockSpec((_R, 8), lambda i: (i, 0)),
        out_shape=jax.ShapeDtypeStruct((npad, 8), jnp.int32),
    )(keys, prow)

    chunk = npad // _NW
    mesh = plsc.VectorSubcoreMesh(core_axis_name="c", subcore_axis_name="s")
    sc = functools.partial(
        pl.kernel,
        mesh=mesh,
        compiler_params=pltpu.CompilerParams(needs_layout_passes=False),
        out_type=[jax.ShapeDtypeStruct((npad,), jnp.float32)] * 9,
        scratch_types=[
            pltpu.VMEM((npad,), jnp.float32),
            pltpu.VMEM((npad,), jnp.float32),
            pltpu.VMEM((npad,), jnp.float32),
            pltpu.VMEM((chunk,), jnp.int32),
            pltpu.VMEM((chunk,), jnp.int32),
            pltpu.VMEM((chunk,), jnp.int32),
        ] + [pltpu.VMEM((chunk,), jnp.float32)] * 9,
    )(functools.partial(_sc_body, npad, chunk))

    outs = sc(prow[:, 0], prow[:, 1], prow[:, 2],
              idx[:, 0], idx[:, 1], idx[:, 2])

    return jnp.stack(outs, axis=1)[:n].reshape(n, 3, 3)

# --- scband reference (transcript-rebuilt; emitter-appended) ---
"""Pipeline reference for scband-three-nnlframes-32006096289979 (READ-ONLY COPY).

The authoritative reference and input builder live on the scoring server;
editing this copy changes nothing except your own understanding.
"""

import jax, jax.numpy as jnp
import numpy as np

N_POINTS = 10000


def setup_inputs(seed: int = 0) -> dict:
    key = jax.random.key(seed)
    pos = jax.random.normal(key, (N_POINTS, 3), dtype=jnp.float32)
    return {"pos": pos}


def _gram_schmidt(x, y, z):
    eps = 1e-12
    e1 = x / (jnp.linalg.norm(x, axis=-1, keepdims=True) + eps)
    u2 = y - jnp.sum(y * e1, axis=-1, keepdims=True) * e1
    e2 = u2 / (jnp.linalg.norm(u2, axis=-1, keepdims=True) + eps)
    u3 = z - jnp.sum(z * e1, axis=-1, keepdims=True) * e1 - jnp.sum(z * e2, axis=-1, keepdims=True) * e2
    e3 = u3 / (jnp.linalg.norm(u3, axis=-1, keepdims=True) + eps)
    # local frame matrices, one orthonormal 3x3 frame per point (rows = axes)
    return jnp.stack([e1, e2, e3], axis=-2)


def reference(pos):
    # ThreeNNLFrames.forward with idx=None, batch=None (single batch, all points are centers).
    N = pos.shape[0]
    # brute-force pairwise squared distances (knn with k=4, self included)
    sq = jnp.sum(pos * pos, axis=1)
    dist = sq[:, None] + sq[None, :] - 2.0 * (pos @ pos.T)
    # guarantee the self loop is the nearest neighbor (torch knn includes it with d=0)
    diag = jnp.arange(N)
    dist = dist.at[diag, diag].set(-1.0)
    # knn indices carry no gradient in torch; mirror that
    dist_ng = jax.lax.stop_gradient(dist)
    _, idxs = jax.lax.top_k(-dist_ng, 4)  # sorted ascending by distance; col 0 is self
    col = idxs[:, 1:4]  # drop self loops -> (N, 3)
    # row becomes arange(N) after filtering, so centers are pos itself
    x_axis = pos[col[:, 0]] - pos
    y_axis = pos[col[:, 1]] - pos
    z_axis = pos[col[:, 2]] - pos
    matrices = _gram_schmidt(x_axis, y_axis, z_axis)
    return matrices

if __name__ == "__main__":
    import jax
    _d = setup_inputs()
    print(jax.jit(kernel)(*tuple(_d.values())))

</pallas_src>

<mosaic_0001>
#map = affine_map<(d0, d1) -> (0)>
module attributes {stable_mosaic.version = 14 : i64} {
  func.func @_sc_body(%arg0: i32, %arg1: i32, %arg2: memref<10240xf32, #tpu.memory_space<hbm>>, %arg3: memref<10240xf32, #tpu.memory_space<hbm>>, %arg4: memref<10240xf32, #tpu.memory_space<hbm>>, %arg5: memref<10240xi32, #tpu.memory_space<hbm>>, %arg6: memref<10240xi32, #tpu.memory_space<hbm>>, %arg7: memref<10240xi32, #tpu.memory_space<hbm>>, %arg8: memref<10240xf32, #tpu.memory_space<hbm>>, %arg9: memref<10240xf32, #tpu.memory_space<hbm>>, %arg10: memref<10240xf32, #tpu.memory_space<hbm>>, %arg11: memref<10240xf32, #tpu.memory_space<hbm>>, %arg12: memref<10240xf32, #tpu.memory_space<hbm>>, %arg13: memref<10240xf32, #tpu.memory_space<hbm>>, %arg14: memref<10240xf32, #tpu.memory_space<hbm>>, %arg15: memref<10240xf32, #tpu.memory_space<hbm>>, %arg16: memref<10240xf32, #tpu.memory_space<hbm>>, %arg17: memref<10240xf32, #tpu.memory_space<vmem>>, %arg18: memref<10240xf32, #tpu.memory_space<vmem>>, %arg19: memref<10240xf32, #tpu.memory_space<vmem>>, %arg20: memref<320xi32, #tpu.memory_space<vmem>>, %arg21: memref<320xi32, #tpu.memory_space<vmem>>, %arg22: memref<320xi32, #tpu.memory_space<vmem>>, %arg23: memref<320xf32, #tpu.memory_space<vmem>>, %arg24: memref<320xf32, #tpu.memory_space<vmem>>, %arg25: memref<320xf32, #tpu.memory_space<vmem>>, %arg26: memref<320xf32, #tpu.memory_space<vmem>>, %arg27: memref<320xf32, #tpu.memory_space<vmem>>, %arg28: memref<320xf32, #tpu.memory_space<vmem>>, %arg29: memref<320xf32, #tpu.memory_space<vmem>>, %arg30: memref<320xf32, #tpu.memory_space<vmem>>, %arg31: memref<320xf32, #tpu.memory_space<vmem>>) attributes {dimension_semantics = [#tpu.dimension_semantics<core_parallel>, #tpu.dimension_semantics<subcore_parallel>], iteration_bounds = array<i64: 2, 16>, scalar_prefetch = 0 : i64, scratch_operands = 15 : i64, tpu.core_type = #tpu.core_type<sc_vector_subcore>, window_params = [{transform_indices = #map}, {transform_indices = #map}, {transform_indices = #map}, {transform_indices = #map}, {transform_indices = #map}, {transform_indices = #map}, {transform_indices = #map}, {transform_indices = #map}, {transform_indices = #map}, {transform_indices = #map}, {transform_indices = #map}, {transform_indices = #map}, {transform_indices = #map}, {transform_indices = #map}, {transform_indices = #map}]} {
    %mul3A = arith.constant 16 : i32
    %mul3A_0 = arith.muli %arg0, %mul3A : i32
    %add3A = arith.addi %mul3A_0, %arg1 : i32
    %mul3A_1 = arith.constant 320 : i32
    %mul3A_2 = arith.muli %add3A, %mul3A_1 : i32
    "tpu.region"() ({
      %run_scoped3A = tpu.sem_alloc : memref<!tpu.dma_semaphore, #tpu.memory_space<semaphore_mem>>
      tpu.enqueue_dma source(%arg2 : memref<10240xf32, #tpu.memory_space<hbm>>) target(%arg17 : memref<10240xf32, #tpu.memory_space<vmem>>) target_semaphore(%run_scoped3A : memref<!tpu.dma_semaphore, #tpu.memory_space<semaphore_mem>>)
      tpu.wait_dma2 semaphore(%run_scoped3A : memref<!tpu.dma_semaphore, #tpu.memory_space<semaphore_mem>>) src(%arg2 : memref<10240xf32, #tpu.memory_space<hbm>>) dst(%arg17 : memref<10240xf32, #tpu.memory_space<vmem>>)
      tpu.yield
    }) : () -> ()
    "tpu.region"() ({
      %run_scoped3A = tpu.sem_alloc : memref<!tpu.dma_semaphore, #tpu.memory_space<semaphore_mem>>
      tpu.enqueue_dma source(%arg3 : memref<10240xf32, #tpu.memory_space<hbm>>) target(%arg18 : memref<10240xf32, #tpu.memory_space<vmem>>) target_semaphore(%run_scoped3A : memref<!tpu.dma_semaphore, #tpu.memory_space<semaphore_mem>>)
      tpu.wait_dma2 semaphore(%run_scoped3A : memref<!tpu.dma_semaphore, #tpu.memory_space<semaphore_mem>>) src(%arg3 : memref<10240xf32, #tpu.memory_space<hbm>>) dst(%arg18 : memref<10240xf32, #tpu.memory_space<vmem>>)
      tpu.yield
    }) : () -> ()
    "tpu.region"() ({
      %run_scoped3A = tpu.sem_alloc : memref<!tpu.dma_semaphore, #tpu.memory_space<semaphore_mem>>
      tpu.enqueue_dma source(%arg4 : memref<10240xf32, #tpu.memory_space<hbm>>) target(%arg19 : memref<10240xf32, #tpu.memory_space<vmem>>) target_semaphore(%run_scoped3A : memref<!tpu.dma_semaphore, #tpu.memory_space<semaphore_mem>>)
      tpu.wait_dma2 semaphore(%run_scoped3A : memref<!tpu.dma_semaphore, #tpu.memory_space<semaphore_mem>>) src(%arg4 : memref<10240xf32, #tpu.memory_space<hbm>>) dst(%arg19 : memref<10240xf32, #tpu.memory_space<vmem>>)
      tpu.yield
    }) : () -> ()
    "tpu.region"() ({
      %run_scoped3A = tpu.sem_alloc : memref<!tpu.dma_semaphore, #tpu.memory_space<semaphore_mem>>
      %dma_start3A = tpu.memref_slice %arg5[%mul3A_2] : memref<10240xi32, #tpu.memory_space<hbm>> -> memref<320xi32, #tpu.memory_space<hbm>>
      %dma_start3A_8 = tpu.memref_slice %arg5[%mul3A_2] : memref<10240xi32, #tpu.memory_space<hbm>> -> memref<320xi32, #tpu.memory_space<hbm>>
      tpu.enqueue_dma source(%dma_start3A_8 : memref<320xi32, #tpu.memory_space<hbm>>) target(%arg20 : memref<320xi32, #tpu.memory_space<vmem>>) target_semaphore(%run_scoped3A : memref<!tpu.dma_semaphore, #tpu.memory_space<semaphore_mem>>)
      %dma_wait3A = tpu.memref_slice %arg5[%mul3A_2] : memref<10240xi32, #tpu.memory_space<hbm>> -> memref<320xi32, #tpu.memory_space<hbm>>
      %dma_wait3A_9 = tpu.memref_slice %arg5[%mul3A_2] : memref<10240xi32, #tpu.memory_space<hbm>> -> memref<320xi32, #tpu.memory_space<hbm>>
      tpu.wait_dma2 semaphore(%run_scoped3A : memref<!tpu.dma_semaphore, #tpu.memory_space<semaphore_mem>>) src(%dma_wait3A_9 : memref<320xi32, #tpu.memory_space<hbm>>) dst(%arg20 : memref<320xi32, #tpu.memory_space<vmem>>)
      tpu.yield
    }) : () -> ()
    "tpu.region"() ({
      %run_scoped3A = tpu.sem_alloc : memref<!tpu.dma_semaphore, #tpu.memory_space<semaphore_mem>>
      %dma_start3A = tpu.memref_slice %arg6[%mul3A_2] : memref<10240xi32, #tpu.memory_space<hbm>> -> memref<320xi32, #tpu.memory_space<hbm>>
      %dma_start3A_8 = tpu.memref_slice %arg6[%mul3A_2] : memref<10240xi32, #tpu.memory_space<hbm>> -> memref<320xi32, #tpu.memory_space<hbm>>
      tpu.enqueue_dma source(%dma_start3A_8 : memref<320xi32, #tpu.memory_space<hbm>>) target(%arg21 : memref<320xi32, #tpu.memory_space<vmem>>) target_semaphore(%run_scoped3A : memref<!tpu.dma_semaphore, #tpu.memory_space<semaphore_mem>>)
      %dma_wait3A = tpu.memref_slice %arg6[%mul3A_2] : memref<10240xi32, #tpu.memory_space<hbm>> -> memref<320xi32, #tpu.memory_space<hbm>>
      %dma_wait3A_9 = tpu.memref_slice %arg6[%mul3A_2] : memref<10240xi32, #tpu.memory_space<hbm>> -> memref<320xi32, #tpu.memory_space<hbm>>
      tpu.wait_dma2 semaphore(%run_scoped3A : memref<!tpu.dma_semaphore, #tpu.memory_space<semaphore_mem>>) src(%dma_wait3A_9 : memref<320xi32, #tpu.memory_space<hbm>>) dst(%arg21 : memref<320xi32, #tpu.memory_space<vmem>>)
      tpu.yield
    }) : () -> ()
    "tpu.region"() ({
      %run_scoped3A = tpu.sem_alloc : memref<!tpu.dma_semaphore, #tpu.memory_space<semaphore_mem>>
      %dma_start3A = tpu.memref_slice %arg7[%mul3A_2] : memref<10240xi32, #tpu.memory_space<hbm>> -> memref<320xi32, #tpu.memory_space<hbm>>
      %dma_start3A_8 = tpu.memref_slice %arg7[%mul3A_2] : memref<10240xi32, #tpu.memory_space<hbm>> -> memref<320xi32, #tpu.memory_space<hbm>>
      tpu.enqueue_dma source(%dma_start3A_8 : memref<320xi32, #tpu.memory_space<hbm>>) target(%arg22 : memref<320xi32, #tpu.memory_space<vmem>>) target_semaphore(%run_scoped3A : memref<!tpu.dma_semaphore, #tpu.memory_space<semaphore_mem>>)
      %dma_wait3A = tpu.memref_slice %arg7[%mul3A_2] : memref<10240xi32, #tpu.memory_space<hbm>> -> memref<320xi32, #tpu.memory_space<hbm>>
      %dma_wait3A_9 = tpu.memref_slice %arg7[%mul3A_2] : memref<10240xi32, #tpu.memory_space<hbm>> -> memref<320xi32, #tpu.memory_space<hbm>>
      tpu.wait_dma2 semaphore(%run_scoped3A : memref<!tpu.dma_semaphore, #tpu.memory_space<semaphore_mem>>) src(%dma_wait3A_9 : memref<320xi32, #tpu.memory_space<hbm>>) dst(%arg22 : memref<320xi32, #tpu.memory_space<vmem>>)
      tpu.yield
    }) : () -> ()
    %scan3A = arith.constant 0 : i32
    %scan3A_3 = arith.constant 0 : i32
    %scan3A_4 = arith.constant 20 : i32
    %scan3A_5 = arith.addi %scan3A_3, %scan3A_4 : i32
    %scan3A_6 = arith.constant 1 : i32
    scf.for %scan3A_8 = %scan3A_3 to %scan3A_5 step %scan3A_6  : i32 {
      %mul3A_9 = arith.constant 16 : i32
      %mul3A_10 = arith.muli %scan3A_8, %mul3A_9 : i32
      %get3A = arith.index_cast %mul3A_10 : i32 to index
      %get3A_11 = tpu.vector_load %arg20[%get3A] {strides = array<i32>} : memref<320xi32, #tpu.memory_space<vmem>>, vector<16xi32>,
      %get3A_12 = arith.index_cast %mul3A_10 : i32 to index
      %get3A_13 = tpu.vector_load %arg21[%get3A_12] {strides = array<i32>} : memref<320xi32, #tpu.memory_space<vmem>>, vector<16xi32>,
      %get3A_14 = arith.index_cast %mul3A_10 : i32 to index
      %get3A_15 = tpu.vector_load %arg22[%get3A_14] {strides = array<i32>} : memref<320xi32, #tpu.memory_space<vmem>>, vector<16xi32>,
      %add3A_16 = arith.addi %mul3A_2, %mul3A_10 : i32
      %get3A_17 = arith.index_cast %add3A_16 : i32 to index
      %get3A_18 = tpu.vector_load %arg17[%get3A_17] {strides = array<i32>} : memref<10240xf32, #tpu.memory_space<vmem>>, vector<16xf32>,
      %add3A_19 = arith.addi %mul3A_2, %mul3A_10 : i32
      %get3A_20 = arith.index_cast %add3A_19 : i32 to index
      %get3A_21 = tpu.vector_load %arg18[%get3A_20] {strides = array<i32>} : memref<10240xf32, #tpu.memory_space<vmem>>, vector<16xf32>,
      %add3A_22 = arith.addi %mul3A_2, %mul3A_10 : i32
      %get3A_23 = arith.index_cast %add3A_22 : i32 to index
      %get3A_24 = tpu.vector_load %arg19[%get3A_23] {strides = array<i32>} : memref<10240xf32, #tpu.memory_space<vmem>>, vector<16xf32>,
      %gather3A = tpu.vector_load_idx %arg17[%get3A_11] : memref<10240xf32, #tpu.memory_space<vmem>>[vector<16xi32>], vector<16xf32>,
      %sub3A = arith.subf %gather3A, %get3A_18 : vector<16xf32>
      %gather3A_25 = tpu.vector_load_idx %arg18[%get3A_11] : memref<10240xf32, #tpu.memory_space<vmem>>[vector<16xi32>], vector<16xf32>,
      %sub3A_26 = arith.subf %gather3A_25, %get3A_21 : vector<16xf32>
      %gather3A_27 = tpu.vector_load_idx %arg19[%get3A_11] : memref<10240xf32, #tpu.memory_space<vmem>>[vector<16xi32>], vector<16xf32>,
      %sub3A_28 = arith.subf %gather3A_27, %get3A_24 : vector<16xf32>
      %gather3A_29 = tpu.vector_load_idx %arg17[%get3A_13] : memref<10240xf32, #tpu.memory_space<vmem>>[vector<16xi32>], vector<16xf32>,
      %sub3A_30 = arith.subf %gather3A_29, %get3A_18 : vector<16xf32>
      %gather3A_31 = tpu.vector_load_idx %arg18[%get3A_13] : memref<10240xf32, #tpu.memory_space<vmem>>[vector<16xi32>], vector<16xf32>,
      %sub3A_32 = arith.subf %gather3A_31, %get3A_21 : vector<16xf32>
      %gather3A_33 = tpu.vector_load_idx %arg19[%get3A_13] : memref<10240xf32, #tpu.memory_space<vmem>>[vector<16xi32>], vector<16xf32>,
      %sub3A_34 = arith.subf %gather3A_33, %get3A_24 : vector<16xf32>
      %gather3A_35 = tpu.vector_load_idx %arg17[%get3A_15] : memref<10240xf32, #tpu.memory_space<vmem>>[vector<16xi32>], vector<16xf32>,
      %sub3A_36 = arith.subf %gather3A_35, %get3A_18 : vector<16xf32>
      %gather3A_37 = tpu.vector_load_idx %arg18[%get3A_15] : memref<10240xf32, #tpu.memory_space<vmem>>[vector<16xi32>], vector<16xf32>,
      %sub3A_38 = arith.subf %gather3A_37, %get3A_21 : vector<16xf32>
      %gather3A_39 = tpu.vector_load_idx %arg19[%get3A_15] : memref<10240xf32, #tpu.memory_space<vmem>>[vector<16xi32>], vector<16xf32>,
      %sub3A_40 = arith.subf %gather3A_39, %get3A_24 : vector<16xf32>
      %mul3A_41 = arith.mulf %sub3A, %sub3A : vector<16xf32>
      %mul3A_42 = arith.mulf %sub3A_26, %sub3A_26 : vector<16xf32>
      %add3A_43 = arith.addf %mul3A_41, %mul3A_42 : vector<16xf32>
      %mul3A_44 = arith.mulf %sub3A_28, %sub3A_28 : vector<16xf32>
      %add3A_45 = arith.addf %add3A_43, %mul3A_44 : vector<16xf32>
      %max3A = arith.constant 1.000000e-35 : f32
      %max3A_46 = vector.broadcast %max3A : f32 to vector<16xf32>
      %max3A_47 = arith.maximumf %add3A_45, %max3A_46 : vector<16xf32>
      %mul3A_48 = arith.constant 5.000000e-01 : f32
      %mul3A_49 = vector.broadcast %mul3A_48 : f32 to vector<16xf32>
      %mul3A_50 = arith.mulf %mul3A_49, %max3A_47 : vector<16xf32>
      %bitcast3A = vector.bitcast %max3A_47 : vector<16xf32> to vector<16xi32>
      %shift_right_arithmetic3A = arith.constant 1 : i32
      %shift_right_arithmetic3A_51 = vector.broadcast %shift_right_arithmetic3A : i32 to vector<16xi32>
      %shift_right_arithmetic3A_52 = arith.shrsi %bitcast3A, %shift_right_arithmetic3A_51 : vector<16xi32>
      %sub3A_53 = arith.constant 1597463007 : i32
      %sub3A_54 = vector.broadcast %sub3A_53 : i32 to vector<16xi32>
      %sub3A_55 = arith.subi %sub3A_54, %shift_right_arithmetic3A_52 : vector<16xi32>
      %bitcast3A_56 = vector.bitcast %sub3A_55 : vector<16xi32> to vector<16xf32>
      %mul3A_57 = arith.mulf %mul3A_50, %bitcast3A_56 : vector<16xf32>
      %mul3A_58 = arith.mulf %mul3A_57, %bitcast3A_56 : vector<16xf32>
      %sub3A_59 = arith.constant 1.500000e+00 : f32
      %sub3A_60 = vector.broadcast %sub3A_59 : f32 to vector<16xf32>
      %sub3A_61 = arith.subf %sub3A_60, %mul3A_58 : vector<16xf32>
      %mul3A_62 = arith.mulf %bitcast3A_56, %sub3A_61 : vector<16xf32>
      %mul3A_63 = arith.mulf %mul3A_50, %mul3A_62 : vector<16xf32>
      %mul3A_64 = arith.mulf %mul3A_63, %mul3A_62 : vector<16xf32>
      %sub3A_65 = arith.constant 1.500000e+00 : f32
      %sub3A_66 = vector.broadcast %sub3A_65 : f32 to vector<16xf32>
      %sub3A_67 = arith.subf %sub3A_66, %mul3A_64 : vector<16xf32>
      %mul3A_68 = arith.mulf %mul3A_62, %sub3A_67 : vector<16xf32>
      %mul3A_69 = arith.mulf %mul3A_50, %mul3A_68 : vector<16xf32>
      %mul3A_70 = arith.mulf %mul3A_69, %mul3A_68 : vector<16xf32>
      %sub3A_71 = arith.constant 1.500000e+00 : f32
      %sub3A_72 = vector.broadcast %sub3A_71 : f32 to vector<16xf32>
      %sub3A_73 = arith.subf %sub3A_72, %mul3A_70 : vector<16xf32>
      %mul3A_74 = arith.mulf %mul3A_68, %sub3A_73 : vector<16xf32>
      %mul3A_75 = arith.mulf %add3A_45, %mul3A_74 : vector<16xf32>
      %add3A_76 = arith.constant 9.99999996E-13 : f32
      %add3A_77 = vector.broadcast %add3A_76 : f32 to vector<16xf32>
      %add3A_78 = arith.addf %mul3A_75, %add3A_77 : vector<16xf32>
      %div3A = arith.divf %sub3A, %add3A_78 : vector<16xf32>
      %div3A_79 = arith.divf %sub3A_26, %add3A_78 : vector<16xf32>
      %div3A_80 = arith.divf %sub3A_28, %add3A_78 : vector<16xf32>
      %mul3A_81 = arith.mulf %sub3A_30, %div3A : vector<16xf32>
      %mul3A_82 = arith.mulf %sub3A_32, %div3A_79 : vector<16xf32>
      %add3A_83 = arith.addf %mul3A_81, %mul3A_82 : vector<16xf32>
      %mul3A_84 = arith.mulf %sub3A_34, %div3A_80 : vector<16xf32>
      %add3A_85 = arith.addf %add3A_83, %mul3A_84 : vector<16xf32>
      %mul3A_86 = arith.mulf %add3A_85, %div3A : vector<16xf32>
      %sub3A_87 = arith.subf %sub3A_30, %mul3A_86 : vector<16xf32>
      %mul3A_88 = arith.mulf %add3A_85, %div3A_79 : vector<16xf32>
      %sub3A_89 = arith.subf %sub3A_32, %mul3A_88 : vector<16xf32>
      %mul3A_90 = arith.mulf %add3A_85, %div3A_80 : vector<16xf32>
      %sub3A_91 = arith.subf %sub3A_34, %mul3A_90 : vector<16xf32>
      %mul3A_92 = arith.mulf %sub3A_87, %sub3A_87 : vector<16xf32>
      %mul3A_93 = arith.mulf %sub3A_89, %sub3A_89 : vector<16xf32>
      %add3A_94 = arith.addf %mul3A_92, %mul3A_93 : vector<16xf32>
      %mul3A_95 = arith.mulf %sub3A_91, %sub3A_91 : vector<16xf32>
      %add3A_96 = arith.addf %add3A_94, %mul3A_95 : vector<16xf32>
      %max3A_97 = arith.constant 1.000000e-35 : f32
      %max3A_98 = vector.broadcast %max3A_97 : f32 to vector<16xf32>
      %max3A_99 = arith.maximumf %add3A_96, %max3A_98 : vector<16xf32>
      %mul3A_100 = arith.constant 5.000000e-01 : f32
      %mul3A_101 = vector.broadcast %mul3A_100 : f32 to vector<16xf32>
      %mul3A_102 = arith.mulf %mul3A_101, %max3A_99 : vector<16xf32>
      %bitcast3A_103 = vector.bitcast %max3A_99 : vector<16xf32> to vector<16xi32>
      %shift_right_arithmetic3A_104 = arith.constant 1 : i32
      %shift_right_arithmetic3A_105 = vector.broadcast %shift_right_arithmetic3A_104 : i32 to vector<16xi32>
      %shift_right_arithmetic3A_106 = arith.shrsi %bitcast3A_103, %shift_right_arithmetic3A_105 : vector<16xi32>
      %sub3A_107 = arith.constant 1597463007 : i32
      %sub3A_108 = vector.broadcast %sub3A_107 : i32 to vector<16xi32>
      %sub3A_109 = arith.subi %sub3A_108, %shift_right_arithmetic3A_106 : vector<16xi32>
      %bitcast3A_110 = vector.bitcast %sub3A_109 : vector<16xi32> to vector<16xf32>
      %mul3A_111 = arith.mulf %mul3A_102, %bitcast3A_110 : vector<16xf32>
      %mul3A_112 = arith.mulf %mul3A_111, %bitcast3A_110 : vector<16xf32>
      %sub3A_113 = arith.constant 1.500000e+00 : f32
      %sub3A_114 = vector.broadcast %sub3A_113 : f32 to vector<16xf32>
      %sub3A_115 = arith.subf %sub3A_114, %mul3A_112 : vector<16xf32>
      %mul3A_116 = arith.mulf %bitcast3A_110, %sub3A_115 : vector<16xf32>
      %mul3A_117 = arith.mulf %mul3A_102, %mul3A_116 : vector<16xf32>
      %mul3A_118 = arith.mulf %mul3A_117, %mul3A_116 : vector<16xf32>
      %sub3A_119 = arith.constant 1.500000e+00 : f32
      %sub3A_120 = vector.broadcast %sub3A_119 : f32 to vector<16xf32>
      %sub3A_121 = arith.subf %sub3A_120, %mul3A_118 : vector<16xf32>
      %mul3A_122 = arith.mulf %mul3A_116, %sub3A_121 : vector<16xf32>
      %mul3A_123 = arith.mulf %mul3A_102, %mul3A_122 : vector<16xf32>
      %mul3A_124 = arith.mulf %mul3A_123, %mul3A_122 : vector<16xf32>
      %sub3A_125 = arith.constant 1.500000e+00 : f32
      %sub3A_126 = vector.broadcast %sub3A_125 : f32 to vector<16xf32>
      %sub3A_127 = arith.subf %sub3A_126, %mul3A_124 : vector<16xf32>
      %mul3A_128 = arith.mulf %mul3A_122, %sub3A_127 : vector<16xf32>
      %mul3A_129 = arith.mulf %add3A_96, %mul3A_128 : vector<16xf32>
      %add3A_130 = arith.constant 9.99999996E-13 : f32
      %add3A_131 = vector.broadcast %add3A_130 : f32 to vector<16xf32>
      %add3A_132 = arith.addf %mul3A_129, %add3A_131 : vector<16xf32>
      %div3A_133 = arith.divf %sub3A_87, %add3A_132 : vector<16xf32>
      %div3A_134 = arith.divf %sub3A_89, %add3A_132 : vector<16xf32>
      %div3A_135 = arith.divf %sub3A_91, %add3A_132 : vector<16xf32>
      %mul3A_136 = arith.mulf %sub3A_36, %div3A : vector<16xf32>
      %mul3A_137 = arith.mulf %sub3A_38, %div3A_79 : vector<16xf32>
      %add3A_138 = arith.addf %mul3A_136, %mul3A_137 : vector<16xf32>
      %mul3A_139 = arith.mulf %sub3A_40, %div3A_80 : vector<16xf32>
      %add3A_140 = arith.addf %add3A_138, %mul3A_139 : vector<16xf32>
      %mul3A_141 = arith.mulf %sub3A_36, %div3A_133 : vector<16xf32>
      %mul3A_142 = arith.mulf %sub3A_38, %div3A_134 : vector<16xf32>
      %add3A_143 = arith.addf %mul3A_141, %mul3A_142 : vector<16xf32>
      %mul3A_144 = arith.mulf %sub3A_40, %div3A_135 : vector<16xf32>
      %add3A_145 = arith.addf %add3A_143, %mul3A_144 : vector<16xf32>
      %mul3A_146 = arith.mulf %add3A_140, %div3A : vector<16xf32>
      %sub3A_147 = arith.subf %sub3A_36, %mul3A_146 : vector<16xf32>
      %mul3A_148 = arith.mulf %add3A_145, %div3A_133 : vector<16xf32>
      %sub3A_149 = arith.subf %sub3A_147, %mul3A_148 : vector<16xf32>
      %mul3A_150 = arith.mulf %add3A_140, %div3A_79 : vector<16xf32>
      %sub3A_151 = arith.subf %sub3A_38, %mul3A_150 : vector<16xf32>
      %mul3A_152 = arith.mulf %add3A_145, %div3A_134 : vector<16xf32>
      %sub3A_153 = arith.subf %sub3A_151, %mul3A_152 : vector<16xf32>
      %mul3A_154 = arith.mulf %add3A_140, %div3A_80 : vector<16xf32>
      %sub3A_155 = arith.subf %sub3A_40, %mul3A_154 : vector<16xf32>
      %mul3A_156 = arith.mulf %add3A_145, %div3A_135 : vector<16xf32>
      %sub3A_157 = arith.subf %sub3A_155, %mul3A_156 : vector<16xf32>
      %mul3A_158 = arith.mulf %sub3A_149, %sub3A_149 : vector<16xf32>
      %mul3A_159 = arith.mulf %sub3A_153, %sub3A_153 : vector<16xf32>
      %add3A_160 = arith.addf %mul3A_158, %mul3A_159 : vector<16xf32>
      %mul3A_161 = arith.mulf %sub3A_157, %sub3A_157 : vector<16xf32>
      %add3A_162 = arith.addf %add3A_160, %mul3A_161 : vector<16xf32>
      %max3A_163 = arith.constant 1.000000e-35 : f32
      %max3A_164 = vector.broadcast %max3A_163 : f32 to vector<16xf32>
      %max3A_165 = arith.maximumf %add3A_162, %max3A_164 : vector<16xf32>
      %mul3A_166 = arith.constant 5.000000e-01 : f32
      %mul3A_167 = vector.broadcast %mul3A_166 : f32 to vector<16xf32>
      %mul3A_168 = arith.mulf %mul3A_167, %max3A_165 : vector<16xf32>
      %bitcast3A_169 = vector.bitcast %max3A_165 : vector<16xf32> to vector<16xi32>
      %shift_right_arithmetic3A_170 = arith.constant 1 : i32
      %shift_right_arithmetic3A_171 = vector.broadcast %shift_right_arithmetic3A_170 : i32 to vector<16xi32>
      %shift_right_arithmetic3A_172 = arith.shrsi %bitcast3A_169, %shift_right_arithmetic3A_171 : vector<16xi32>
      %sub3A_173 = arith.constant 1597463007 : i32
      %sub3A_174 = vector.broadcast %sub3A_173 : i32 to vector<16xi32>
      %sub3A_175 = arith.subi %sub3A_174, %shift_right_arithmetic3A_172 : vector<16xi32>
      %bitcast3A_176 = vector.bitcast %sub3A_175 : vector<16xi32> to vector<16xf32>
      %mul3A_177 = arith.mulf %mul3A_168, %bitcast3A_176 : vector<16xf32>
      %mul3A_178 = arith.mulf %mul3A_177, %bitcast3A_176 : vector<16xf32>
      %sub3A_179 = arith.constant 1.500000e+00 : f32
      %sub3A_180 = vector.broadcast %sub3A_179 : f32 to vector<16xf32>
      %sub3A_181 = arith.subf %sub3A_180, %mul3A_178 : vector<16xf32>
      %mul3A_182 = arith.mulf %bitcast3A_176, %sub3A_181 : vector<16xf32>
      %mul3A_183 = arith.mulf %mul3A_168, %mul3A_182 : vector<16xf32>
      %mul3A_184 = arith.mulf %mul3A_183, %mul3A_182 : vector<16xf32>
      %sub3A_185 = arith.constant 1.500000e+00 : f32
      %sub3A_186 = vector.broadcast %sub3A_185 : f32 to vector<16xf32>
      %sub3A_187 = arith.subf %sub3A_186, %mul3A_184 : vector<16xf32>
      %mul3A_188 = arith.mulf %mul3A_182, %sub3A_187 : vector<16xf32>
      %mul3A_189 = arith.mulf %mul3A_168, %mul3A_188 : vector<16xf32>
      %mul3A_190 = arith.mulf %mul3A_189, %mul3A_188 : vector<16xf32>
      %sub3A_191 = arith.constant 1.500000e+00 : f32
      %sub3A_192 = vector.broadcast %sub3A_191 : f32 to vector<16xf32>
      %sub3A_193 = arith.subf %sub3A_192, %mul3A_190 : vector<16xf32>
      %mul3A_194 = arith.mulf %mul3A_188, %sub3A_193 : vector<16xf32>
      %mul3A_195 = arith.mulf %add3A_162, %mul3A_194 : vector<16xf32>
      %add3A_196 = arith.constant 9.99999996E-13 : f32
      %add3A_197 = vector.broadcast %add3A_196 : f32 to vector<16xf32>
      %add3A_198 = arith.addf %mul3A_195, %add3A_197 : vector<16xf32>
      %div3A_199 = arith.divf %sub3A_149, %add3A_198 : vector<16xf32>
      %div3A_200 = arith.divf %sub3A_153, %add3A_198 : vector<16xf32>
      %div3A_201 = arith.divf %sub3A_157, %add3A_198 : vector<16xf32>
      %swap3A = arith.index_cast %mul3A_10 : i32 to index
      %swap3A_202 = tpu.vector_load %arg23[%swap3A] {strides = array<i32>} : memref<320xf32, #tpu.memory_space<vmem>>, vector<16xf32>,
      tpu.vector_store %arg23[%swap3A], %div3A {strides = array<i32>} : memref<320xf32, #tpu.memory_space<vmem>>, vector<16xf32>,
      %swap3A_203 = arith.index_cast %mul3A_10 : i32 to index
      %swap3A_204 = tpu.vector_load %arg24[%swap3A_203] {strides = array<i32>} : memref<320xf32, #tpu.memory_space<vmem>>, vector<16xf32>,
      tpu.vector_store %arg24[%swap3A_203], %div3A_79 {strides = array<i32>} : memref<320xf32, #tpu.memory_space<vmem>>, vector<16xf32>,
      %swap3A_205 = arith.index_cast %mul3A_10 : i32 to index
      %swap3A_206 = tpu.vector_load %arg25[%swap3A_205] {strides = array<i32>} : memref<320xf32, #tpu.memory_space<vmem>>, vector<16xf32>,
      tpu.vector_store %arg25[%swap3A_205], %div3A_80 {strides = array<i32>} : memref<320xf32, #tpu.memory_space<vmem>>, vector<16xf32>,
      %swap3A_207 = arith.index_cast %mul3A_10 : i32 to index
      %swap3A_208 = tpu.vector_load %arg26[%swap3A_207] {strides = array<i32>} : memref<320xf32, #tpu.memory_space<vmem>>, vector<16xf32>,
      tpu.vector_store %arg26[%swap3A_207], %div3A_133 {strides = array<i32>} : memref<320xf32, #tpu.memory_space<vmem>>, vector<16xf32>,
      %swap3A_209 = arith.index_cast %mul3A_10 : i32 to index
      %swap3A_210 = tpu.vector_load %arg27[%swap3A_209] {strides = array<i32>} : memref<320xf32, #tpu.memory_space<vmem>>, vector<16xf32>,
      tpu.vector_store %arg27[%swap3A_209], %div3A_134 {strides = array<i32>} : memref<320xf32, #tpu.memory_space<vmem>>, vector<16xf32>,
      %swap3A_211 = arith.index_cast %mul3A_10 : i32 to index
      %swap3A_212 = tpu.vector_load %arg28[%swap3A_211] {strides = array<i32>} : memref<320xf32, #tpu.memory_space<vmem>>, vector<16xf32>,
      tpu.vector_store %arg28[%swap3A_211], %div3A_135 {strides = array<i32>} : memref<320xf32, #tpu.memory_space<vmem>>, vector<16xf32>,
      %swap3A_213 = arith.index_cast %mul3A_10 : i32 to index
      %swap3A_214 = tpu.vector_load %arg29[%swap3A_213] {strides = array<i32>} : memref<320xf32, #tpu.memory_space<vmem>>, vector<16xf32>,
      tpu.vector_store %arg29[%swap3A_213], %div3A_199 {strides = array<i32>} : memref<320xf32, #tpu.memory_space<vmem>>, vector<16xf32>,
      %swap3A_215 = arith.index_cast %mul3A_10 : i32 to index
      %swap3A_216 = tpu.vector_load %arg30[%swap3A_215] {strides = array<i32>} : memref<320xf32, #tpu.memory_space<vmem>>, vector<16xf32>,
      tpu.vector_store %arg30[%swap3A_215], %div3A_200 {strides = array<i32>} : memref<320xf32, #tpu.memory_space<vmem>>, vector<16xf32>,
      %swap3A_217 = arith.index_cast %mul3A_10 : i32 to index
      %swap3A_218 = tpu.vector_load %arg31[%swap3A_217] {strides = array<i32>} : memref<320xf32, #tpu.memory_space<vmem>>, vector<16xf32>,
      tpu.vector_store %arg31[%swap3A_217], %div3A_201 {strides = array<i32>} : memref<320xf32, #tpu.memory_space<vmem>>, vector<16xf32>,
    }
    %scan3A_7 = arith.constant 20 : i32
    "tpu.region"() ({
      %run_scoped3A = tpu.sem_alloc : memref<!tpu.dma_semaphore, #tpu.memory_space<semaphore_mem>>
      %dma_start3A = tpu.memref_slice %arg8[%mul3A_2] : memref<10240xf32, #tpu.memory_space<hbm>> -> memref<320xf32, #tpu.memory_space<hbm>>
      %dma_start3A_8 = tpu.memref_slice %arg8[%mul3A_2] : memref<10240xf32, #tpu.memory_space<hbm>> -> memref<320xf32, #tpu.memory_space<hbm>>
      tpu.enqueue_dma source(%arg23 : memref<320xf32, #tpu.memory_space<vmem>>) target(%dma_start3A_8 : memref<320xf32, #tpu.memory_space<hbm>>) target_semaphore(%run_scoped3A : memref<!tpu.dma_semaphore, #tpu.memory_space<semaphore_mem>>)
      %dma_wait3A = tpu.memref_slice %arg8[%mul3A_2] : memref<10240xf32, #tpu.memory_space<hbm>> -> memref<320xf32, #tpu.memory_space<hbm>>
      %dma_wait3A_9 = tpu.memref_slice %arg8[%mul3A_2] : memref<10240xf32, #tpu.memory_space<hbm>> -> memref<320xf32, #tpu.memory_space<hbm>>
      tpu.wait_dma2 semaphore(%run_scoped3A : memref<!tpu.dma_semaphore, #tpu.memory_space<semaphore_mem>>) src(%arg23 : memref<320xf32, #tpu.memory_space<vmem>>) dst(%dma_wait3A_9 : memref<320xf32, #tpu.memory_space<hbm>>)
      tpu.yield
    }) : () -> ()
    "tpu.region"() ({
      %run_scoped3A = tpu.sem_alloc : memref<!tpu.dma_semaphore, #tpu.memory_space<semaphore_mem>>
      %dma_start3A = tpu.memref_slice %arg9[%mul3A_2] : memref<10240xf32, #tpu.memory_space<hbm>> -> memref<320xf32, #tpu.memory_space<hbm>>
      %dma_start3A_8 = tpu.memref_slice %arg9[%mul3A_2] : memref<10240xf32, #tpu.memory_space<hbm>> -> memref<320xf32, #tpu.memory_space<hbm>>
      tpu.enqueue_dma source(%arg24 : memref<320xf32, #tpu.memory_space<vmem>>) target(%dma_start3A_8 : memref<320xf32, #tpu.memory_space<hbm>>) target_semaphore(%run_scoped3A : memref<!tpu.dma_semaphore, #tpu.memory_space<semaphore_mem>>)
      %dma_wait3A = tpu.memref_slice %arg9[%mul3A_2] : memref<10240xf32, #tpu.memory_space<hbm>> -> memref<320xf32, #tpu.memory_space<hbm>>
      %dma_wait3A_9 = tpu.memref_slice %arg9[%mul3A_2] : memref<10240xf32, #tpu.memory_space<hbm>> -> memref<320xf32, #tpu.memory_space<hbm>>
      tpu.wait_dma2 semaphore(%run_scoped3A : memref<!tpu.dma_semaphore, #tpu.memory_space<semaphore_mem>>) src(%arg24 : memref<320xf32, #tpu.memory_space<vmem>>) dst(%dma_wait3A_9 : memref<320xf32, #tpu.memory_space<hbm>>)
      tpu.yield
    }) : () -> ()
    "tpu.region"() ({
      %run_scoped3A = tpu.sem_alloc : memref<!tpu.dma_semaphore, #tpu.memory_space<semaphore_mem>>
      %dma_start3A = tpu.memref_slice %arg10[%mul3A_2] : memref<10240xf32, #tpu.memory_space<hbm>> -> memref<320xf32, #tpu.memory_space<hbm>>
      %dma_start3A_8 = tpu.memref_slice %arg10[%mul3A_2] : memref<10240xf32, #tpu.memory_space<hbm>> -> memref<320xf32, #tpu.memory_space<hbm>>
      tpu.enqueue_dma source(%arg25 : memref<320xf32, #tpu.memory_space<vmem>>) target(%dma_start3A_8 : memref<320xf32, #tpu.memory_space<hbm>>) target_semaphore(%run_scoped3A : memref<!tpu.dma_semaphore, #tpu.memory_space<semaphore_mem>>)
      %dma_wait3A = tpu.memref_slice %arg10[%mul3A_2] : memref<10240xf32, #tpu.memory_space<hbm>> -> memref<320xf32, #tpu.memory_space<hbm>>
      %dma_wait3A_9 = tpu.memref_slice %arg10[%mul3A_2] : memref<10240xf32, #tpu.memory_space<hbm>> -> memref<320xf32, #tpu.memory_space<hbm>>
      tpu.wait_dma2 semaphore(%run_scoped3A : memref<!tpu.dma_semaphore, #tpu.memory_space<semaphore_mem>>) src(%arg25 : memref<320xf32, #tpu.memory_space<vmem>>) dst(%dma_wait3A_9 : memref<320xf32, #tpu.memory_space<hbm>>)
      tpu.yield
    }) : () -> ()
    "tpu.region"() ({
      %run_scoped3A = tpu.sem_alloc : memref<!tpu.dma_semaphore, #tpu.memory_space<semaphore_mem>>
      %dma_start3A = tpu.memref_slice %arg11[%mul3A_2] : memref<10240xf32, #tpu.memory_space<hbm>> -> memref<320xf32, #tpu.memory_space<hbm>>
      %dma_start3A_8 = tpu.memref_slice %arg11[%mul3A_2] : memref<10240xf32, #tpu.memory_space<hbm>> -> memref<320xf32, #tpu.memory_space<hbm>>
      tpu.enqueue_dma source(%arg26 : memref<320xf32, #tpu.memory_space<vmem>>) target(%dma_start3A_8 : memref<320xf32, #tpu.memory_space<hbm>>) target_semaphore(%run_scoped3A : memref<!tpu.dma_semaphore, #tpu.memory_space<semaphore_mem>>)
      %dma_wait3A = tpu.memref_slice %arg11[%mul3A_2] : memref<10240xf32, #tpu.memory_space<hbm>> -> memref<320xf32, #tpu.memory_space<hbm>>
      %dma_wait3A_9 = tpu.memref_slice %arg11[%mul3A_2] : memref<10240xf32, #tpu.memory_space<hbm>> -> memref<320xf32, #tpu.memory_space<hbm>>
      tpu.wait_dma2 semaphore(%run_scoped3A : memref<!tpu.dma_semaphore, #tpu.memory_space<semaphore_mem>>) src(%arg26 : memref<320xf32, #tpu.memory_space<vmem>>) dst(%dma_wait3A_9 : memref<320xf32, #tpu.memory_space<hbm>>)
      tpu.yield
    }) : () -> ()
    "tpu.region"() ({
      %run_scoped3A = tpu.sem_alloc : memref<!tpu.dma_semaphore, #tpu.memory_space<semaphore_mem>>
      %dma_start3A = tpu.memref_slice %arg12[%mul3A_2] : memref<10240xf32, #tpu.memory_space<hbm>> -> memref<320xf32, #tpu.memory_space<hbm>>
      %dma_start3A_8 = tpu.memref_slice %arg12[%mul3A_2] : memref<10240xf32, #tpu.memory_space<hbm>> -> memref<320xf32, #tpu.memory_space<hbm>>
      tpu.enqueue_dma source(%arg27 : memref<320xf32, #tpu.memory_space<vmem>>) target(%dma_start3A_8 : memref<320xf32, #tpu.memory_space<hbm>>) target_semaphore(%run_scoped3A : memref<!tpu.dma_semaphore, #tpu.memory_space<semaphore_mem>>)
      %dma_wait3A = tpu.memref_slice %arg12[%mul3A_2] : memref<10240xf32, #tpu.memory_space<hbm>> -> memref<320xf32, #tpu.memory_space<hbm>>
      %dma_wait3A_9 = tpu.memref_slice %arg12[%mul3A_2] : memref<10240xf32, #tpu.memory_space<hbm>> -> memref<320xf32, #tpu.memory_space<hbm>>
      tpu.wait_dma2 semaphore(%run_scoped3A : memref<!tpu.dma_semaphore, #tpu.memory_space<semaphore_mem>>) src(%arg27 : memref<320xf32, #tpu.memory_space<vmem>>) dst(%dma_wait3A_9 : memref<320xf32, #tpu.memory_space<hbm>>)
      tpu.yield
    }) : () -> ()
    "tpu.region"() ({
      %run_scoped3A = tpu.sem_alloc : memref<!tpu.dma_semaphore, #tpu.memory_space<semaphore_mem>>
      %dma_start3A = tpu.memref_slice %arg13[%mul3A_2] : memref<10240xf32, #tpu.memory_space<hbm>> -> memref<320xf32, #tpu.memory_space<hbm>>
      %dma_start3A_8 = tpu.memref_slice %arg13[%mul3A_2] : memref<10240xf32, #tpu.memory_space<hbm>> -> memref<320xf32, #tpu.memory_space<hbm>>
      tpu.enqueue_dma source(%arg28 : memref<320xf32, #tpu.memory_space<vmem>>) target(%dma_start3A_8 : memref<320xf32, #tpu.memory_space<hbm>>) target_semaphore(%run_scoped3A : memref<!tpu.dma_semaphore, #tpu.memory_space<semaphore_mem>>)
      %dma_wait3A = tpu.memref_slice %arg13[%mul3A_2] : memref<10240xf32, #tpu.memory_space<hbm>> -> memref<320xf32, #tpu.memory_space<hbm>>
      %dma_wait3A_9 = tpu.memref_slice %arg13[%mul3A_2] : memref<10240xf32, #tpu.memory_space<hbm>> -> memref<320xf32, #tpu.memory_space<hbm>>
      tpu.wait_dma2 semaphore(%run_scoped3A : memref<!tpu.dma_semaphore, #tpu.memory_space<semaphore_mem>>) src(%arg28 : memref<320xf32, #tpu.memory_space<vmem>>) dst(%dma_wait3A_9 : memref<320xf32, #tpu.memory_space<hbm>>)
      tpu.yield
    }) : () -> ()
    "tpu.region"() ({
      %run_scoped3A = tpu.sem_alloc : memref<!tpu.dma_semaphore, #tpu.memory_space<semaphore_mem>>
      %dma_start3A = tpu.memref_slice %arg14[%mul3A_2] : memref<10240xf32, #tpu.memory_space<hbm>> -> memref<320xf32, #tpu.memory_space<hbm>>
      %dma_start3A_8 = tpu.memref_slice %arg14[%mul3A_2] : memref<10240xf32, #tpu.memory_space<hbm>> -> memref<320xf32, #tpu.memory_space<hbm>>
      tpu.enqueue_dma source(%arg29 : memref<320xf32, #tpu.memory_space<vmem>>) target(%dma_start3A_8 : memref<320xf32, #tpu.memory_space<hbm>>) target_semaphore(%run_scoped3A : memref<!tpu.dma_semaphore, #tpu.memory_space<semaphore_mem>>)
      %dma_wait3A = tpu.memref_slice %arg14[%mul3A_2] : memref<10240xf32, #tpu.memory_space<hbm>> -> memref<320xf32, #tpu.memory_space<hbm>>
      %dma_wait3A_9 = tpu.memref_slice %arg14[%mul3A_2] : memref<10240xf32, #tpu.memory_space<hbm>> -> memref<320xf32, #tpu.memory_space<hbm>>
      tpu.wait_dma2 semaphore(%run_scoped3A : memref<!tpu.dma_semaphore, #tpu.memory_space<semaphore_mem>>) src(%arg29 : memref<320xf32, #tpu.memory_space<vmem>>) dst(%dma_wait3A_9 : memref<320xf32, #tpu.memory_space<hbm>>)
      tpu.yield
    }) : () -> ()
    "tpu.region"() ({
      %run_scoped3A = tpu.sem_alloc : memref<!tpu.dma_semaphore, #tpu.memory_space<semaphore_mem>>
      %dma_start3A = tpu.memref_slice %arg15[%mul3A_2] : memref<10240xf32, #tpu.memory_space<hbm>> -> memref<320xf32, #tpu.memory_space<hbm>>
      %dma_start3A_8 = tpu.memref_slice %arg15[%mul3A_2] : memref<10240xf32, #tpu.memory_space<hbm>> -> memref<320xf32, #tpu.memory_space<hbm>>
      tpu.enqueue_dma source(%arg30 : memref<320xf32, #tpu.memory_space<vmem>>) target(%dma_start3A_8 : memref<320xf32, #tpu.memory_space<hbm>>) target_semaphore(%run_scoped3A : memref<!tpu.dma_semaphore, #tpu.memory_space<semaphore_mem>>)
      %dma_wait3A = tpu.memref_slice %arg15[%mul3A_2] : memref<10240xf32, #tpu.memory_space<hbm>> -> memref<320xf32, #tpu.memory_space<hbm>>
      %dma_wait3A_9 = tpu.memref_slice %arg15[%mul3A_2] : memref<10240xf32, #tpu.memory_space<hbm>> -> memref<320xf32, #tpu.memory_space<hbm>>
      tpu.wait_dma2 semaphore(%run_scoped3A : memref<!tpu.dma_semaphore, #tpu.memory_space<semaphore_mem>>) src(%arg30 : memref<320xf32, #tpu.memory_space<vmem>>) dst(%dma_wait3A_9 : memref<320xf32, #tpu.memory_space<hbm>>)
      tpu.yield
    }) : () -> ()
    "tpu.region"() ({
      %run_scoped3A = tpu.sem_alloc : memref<!tpu.dma_semaphore, #tpu.memory_space<semaphore_mem>>
      %dma_start3A = tpu.memref_slice %arg16[%mul3A_2] : memref<10240xf32, #tpu.memory_space<hbm>> -> memref<320xf32, #tpu.memory_space<hbm>>
      %dma_start3A_8 = tpu.memref_slice %arg16[%mul3A_2] : memref<10240xf32, #tpu.memory_space<hbm>> -> memref<320xf32, #tpu.memory_space<hbm>>
      tpu.enqueue_dma source(%arg31 : memref<320xf32, #tpu.memory_space<vmem>>) target(%dma_start3A_8 : memref<320xf32, #tpu.memory_space<hbm>>) target_semaphore(%run_scoped3A : memref<!tpu.dma_semaphore, #tpu.memory_space<semaphore_mem>>)
      %dma_wait3A = tpu.memref_slice %arg16[%mul3A_2] : memref<10240xf32, #tpu.memory_space<hbm>> -> memref<320xf32, #tpu.memory_space<hbm>>
      %dma_wait3A_9 = tpu.memref_slice %arg16[%mul3A_2] : memref<10240xf32, #tpu.memory_space<hbm>> -> memref<320xf32, #tpu.memory_space<hbm>>
      tpu.wait_dma2 semaphore(%run_scoped3A : memref<!tpu.dma_semaphore, #tpu.memory_space<semaphore_mem>>) src(%arg31 : memref<320xf32, #tpu.memory_space<vmem>>) dst(%dma_wait3A_9 : memref<320xf32, #tpu.memory_space<hbm>>)
      tpu.yield
    }) : () -> ()
    return
  }
}

module attributes {stable_mosaic.version = 14 : i64} {
  func.func @_knn_body(%arg0: i32, %arg1: memref<8x10240xf32, #tpu.memory_space<vmem>>, %arg2: memref<256x8xf32, #tpu.memory_space<vmem>>, %arg3: memref<256x8xi32, #tpu.memory_space<vmem>>) attributes {dimension_semantics = [#tpu.dimension_semantics<arbitrary>], iteration_bounds = array<i64: 40>, scalar_prefetch = 0 : i64, scratch_operands = 0 : i64, tpu.core_type = #tpu.core_type<tc>, window_params = [{pipeline_mode = #tpu.pipeline_mode<synchronous>, transform_indices = @transform_0, window_bounds = array<i64: 8, 10240>}, {transform_indices = @transform_1, window_bounds = array<i64: 256, 8>}, {transform_indices = @transform_2, window_bounds = array<i64: 256, 8>}]} {
    %get3A = arith.constant 4 : index
    %get3A_0 = arith.constant 0 : index
    %get3A_1 = vector.load %arg1[%get3A, %get3A_0] : memref<8x10240xf32, #tpu.memory_space<vmem>>, vector<1x10240xf32>
    %get3A_2 = arith.constant 0 : index
    %get3A_3 = arith.constant 0 : index
    %get3A_4 = vector.load %arg2[%get3A_2, %get3A_3] : memref<256x8xf32, #tpu.memory_space<vmem>>, vector<256x8xf32>
    %slice3A = vector.extract_strided_slice %get3A_4 {offsets = [0, 3], sizes = [256, 1], strides = [1, 1]} : vector<256x8xf32> to vector<256x1xf32>
    %get3A_5 = arith.constant 0 : index
    %get3A_6 = arith.constant 0 : index
    %get3A_7 = vector.load %arg1[%get3A_5, %get3A_6] : memref<8x10240xf32, #tpu.memory_space<vmem>>, vector<8x10240xf32>
    %dot_general3A = arith.constant dense<0.000000e+00> : vector<256x10240xf32>
    %dot_general3A_8 = tpu.matmul %get3A_4, %get3A_7, %dot_general3A {dimension_numbers = #tpu.dot_dimension_numbers<[1], [0], [0], [1], [0, 0, 1, 1], [], []>, transpose_lhs_hint = false} : vector<256x8xf32>, vector<8x10240xf32>, vector<256x10240xf32> -> vector<256x10240xf32>
    %add3A = vector.broadcast %slice3A : vector<256x1xf32> to vector<256x10240xf32>
    %add3A_9 = vector.broadcast %get3A_1 : vector<1x10240xf32> to vector<256x10240xf32>
    %add3A_10 = arith.addf %add3A, %add3A_9 : vector<256x10240xf32>
    %mul3A = arith.constant 2.000000e+00 : f32
    %mul3A_11 = vector.broadcast %mul3A : f32 to vector<256x10240xf32>
    %mul3A_12 = arith.mulf %mul3A_11, %dot_general3A_8 : vector<256x10240xf32>
    %sub3A = arith.subf %add3A_10, %mul3A_12 : vector<256x10240xf32>
    %get3A_13 = arith.constant 5 : index
    %get3A_14 = arith.constant 0 : index
    %get3A_15 = vector.load %arg1[%get3A_13, %get3A_14] : memref<8x10240xf32, #tpu.memory_space<vmem>>, vector<1x10240xf32>
    %mul3A_16 = arith.constant 256 : i32
    %mul3A_17 = arith.muli %arg0, %mul3A_16 : i32
    %iota3A = tpu.iota {dimensions = array<i32: 0>} : vector<256x1xi32>
    %add3A_18 = vector.broadcast %mul3A_17 : i32 to vector<256x1xi32>
    %add3A_19 = arith.addi %add3A_18, %iota3A : vector<256x1xi32>
    %convert_element_type3A = arith.sitofp %add3A_19 : vector<256x1xi32> to vector<256x1xf32>
    %eq3A = vector.broadcast %get3A_15 : vector<1x10240xf32> to vector<256x10240xf32>
    %eq3A_20 = vector.broadcast %convert_element_type3A : vector<256x1xf32> to vector<256x10240xf32>
    %eq3A_21 = arith.cmpf oeq, %eq3A, %eq3A_20 : vector<256x10240xf32>
    %jit3A = arith.constant 1.000000e+30 : f32
    %broadcast_in_dim3A = vector.broadcast %jit3A : f32 to vector<256x10240xf32>
    %select_n3A = arith.select %eq3A_21, %broadcast_in_dim3A, %sub3A : vector<256x10240xi1>, vector<256x10240xf32>
    %reduce_min3A = arith.constant dense<0x7F800000> : vector<256xf32>
    %reduce_min3A_22 = vector.multi_reduction <minimumf>, %select_n3A, %reduce_min3A [1] : vector<256x10240xf32> to vector<256xf32>
    %broadcast_in_dim3A_23 = vector.shape_cast %reduce_min3A_22 : vector<256xf32> to vector<256x1xf32>
    %le3A = vector.broadcast %broadcast_in_dim3A_23 : vector<256x1xf32> to vector<256x10240xf32>
    %le3A_24 = arith.cmpf ole, %select_n3A, %le3A : vector<256x10240xf32>
    %jit3A_25 = arith.constant 1.000000e+09 : f32
    %broadcast_in_dim3A_26 = vector.shape_cast %get3A_15 : vector<1x10240xf32> to vector<1x10240xf32>
    %broadcast_in_dim3A_27 = vector.broadcast %broadcast_in_dim3A_26 : vector<1x10240xf32> to vector<256x10240xf32>
    %broadcast_in_dim3A_28 = vector.broadcast %jit3A_25 : f32 to vector<256x10240xf32>
    %select_n3A_29 = arith.select %le3A_24, %broadcast_in_dim3A_27, %broadcast_in_dim3A_28 : vector<256x10240xi1>, vector<256x10240xf32>
    %reduce_min3A_30 = arith.constant dense<0x7F800000> : vector<256xf32>
    %reduce_min3A_31 = vector.multi_reduction <minimumf>, %select_n3A_29, %reduce_min3A_30 [1] : vector<256x10240xf32> to vector<256xf32>
    %broadcast_in_dim3A_32 = vector.shape_cast %reduce_min3A_31 : vector<256xf32> to vector<256x1xf32>
    %convert_element_type3A_33 = arith.fptosi %broadcast_in_dim3A_32 : vector<256x1xf32> to vector<256x1xi32>
    %swap3A = arith.constant 0 : index
    %swap3A_34 = arith.constant 0 : index
    %swap3A_35 = vector.load %arg3[%swap3A, %swap3A_34] : memref<256x8xi32, #tpu.memory_space<vmem>>, vector<256x1xi32>
    tpu.vector_store %arg3[%swap3A, %swap3A_34], %convert_element_type3A_33 {strides = array<i32>} : memref<256x8xi32, #tpu.memory_space<vmem>>, vector<256x1xi32>,
    %eq3A_36 = vector.broadcast %get3A_15 : vector<1x10240xf32> to vector<256x10240xf32>
    %eq3A_37 = vector.broadcast %broadcast_in_dim3A_32 : vector<256x1xf32> to vector<256x10240xf32>
    %eq3A_38 = arith.cmpf oeq, %eq3A_36, %eq3A_37 : vector<256x10240xf32>
    %jit3A_39 = arith.constant 1.000000e+30 : f32
    %broadcast_in_dim3A_40 = vector.broadcast %jit3A_39 : f32 to vector<256x10240xf32>
    %select_n3A_41 = arith.select %eq3A_38, %broadcast_in_dim3A_40, %select_n3A : vector<256x10240xi1>, vector<256x10240xf32>
    %reduce_min3A_42 = arith.constant dense<0x7F800000> : vector<256xf32>
    %reduce_min3A_43 = vector.multi_reduction <minimumf>, %select_n3A_41, %reduce_min3A_42 [1] : vector<256x10240xf32> to vector<256xf32>
    %broadcast_in_dim3A_44 = vector.shape_cast %reduce_min3A_43 : vector<256xf32> to vector<256x1xf32>
    %le3A_45 = vector.broadcast %broadcast_in_dim3A_44 : vector<256x1xf32> to vector<256x10240xf32>
    %le3A_46 = arith.cmpf ole, %select_n3A_41, %le3A_45 : vector<256x10240xf32>
    %jit3A_47 = arith.constant 1.000000e+09 : f32
    %broadcast_in_dim3A_48 = vector.shape_cast %get3A_15 : vector<1x10240xf32> to vector<1x10240xf32>
    %broadcast_in_dim3A_49 = vector.broadcast %broadcast_in_dim3A_48 : vector<1x10240xf32> to vector<256x10240xf32>
    %broadcast_in_dim3A_50 = vector.broadcast %jit3A_47 : f32 to vector<256x10240xf32>
    %select_n3A_51 = arith.select %le3A_46, %broadcast_in_dim3A_49, %broadcast_in_dim3A_50 : vector<256x10240xi1>, vector<256x10240xf32>
    %reduce_min3A_52 = arith.constant dense<0x7F800000> : vector<256xf32>
    %reduce_min3A_53 = vector.multi_reduction <minimumf>, %select_n3A_51, %reduce_min3A_52 [1] : vector<256x10240xf32> to vector<256xf32>
    %broadcast_in_dim3A_54 = vector.shape_cast %reduce_min3A_53 : vector<256xf32> to vector<256x1xf32>
    %convert_element_type3A_55 = arith.fptosi %broadcast_in_dim3A_54 : vector<256x1xf32> to vector<256x1xi32>
    %swap3A_56 = arith.constant 0 : index
    %swap3A_57 = arith.constant 1 : index
    %swap3A_58 = vector.load %arg3[%swap3A_56, %swap3A_57] : memref<256x8xi32, #tpu.memory_space<vmem>>, vector<256x1xi32>
    tpu.vector_store %arg3[%swap3A_56, %swap3A_57], %convert_element_type3A_55 {strides = array<i32>} : memref<256x8xi32, #tpu.memory_space<vmem>>, vector<256x1xi32>,
    %eq3A_59 = vector.broadcast %get3A_15 : vector<1x10240xf32> to vector<256x10240xf32>
    %eq3A_60 = vector.broadcast %broadcast_in_dim3A_54 : vector<256x1xf32> to vector<256x10240xf32>
    %eq3A_61 = arith.cmpf oeq, %eq3A_59, %eq3A_60 : vector<256x10240xf32>
    %jit3A_62 = arith.constant 1.000000e+30 : f32
    %broadcast_in_dim3A_63 = vector.broadcast %jit3A_62 : f32 to vector<256x10240xf32>
    %select_n3A_64 = arith.select %eq3A_61, %broadcast_in_dim3A_63, %select_n3A_41 : vector<256x10240xi1>, vector<256x10240xf32>
    %reduce_min3A_65 = arith.constant dense<0x7F800000> : vector<256xf32>
    %reduce_min3A_66 = vector.multi_reduction <minimumf>, %select_n3A_64, %reduce_min3A_65 [1] : vector<256x10240xf32> to vector<256xf32>
    %broadcast_in_dim3A_67 = vector.shape_cast %reduce_min3A_66 : vector<256xf32> to vector<256x1xf32>
    %le3A_68 = vector.broadcast %broadcast_in_dim3A_67 : vector<256x1xf32> to vector<256x10240xf32>
    %le3A_69 = arith.cmpf ole, %select_n3A_64, %le3A_68 : vector<256x10240xf32>
    %jit3A_70 = arith.constant 1.000000e+09 : f32
    %broadcast_in_dim3A_71 = vector.shape_cast %get3A_15 : vector<1x10240xf32> to vector<1x10240xf32>
    %broadcast_in_dim3A_72 = vector.broadcast %broadcast_in_dim3A_71 : vector<1x10240xf32> to vector<256x10240xf32>
    %broadcast_in_dim3A_73 = vector.broadcast %jit3A_70 : f32 to vector<256x10240xf32>
    %select_n3A_74 = arith.select %le3A_69, %broadcast_in_dim3A_72, %broadcast_in_dim3A_73 : vector<256x10240xi1>, vector<256x10240xf32>
    %reduce_min3A_75 = arith.constant dense<0x7F800000> : vector<256xf32>
    %reduce_min3A_76 = vector.multi_reduction <minimumf>, %select_n3A_74, %reduce_min3A_75 [1] : vector<256x10240xf32> to vector<256xf32>
    %broadcast_in_dim3A_77 = vector.shape_cast %reduce_min3A_76 : vector<256xf32> to vector<256x1xf32>
    %convert_element_type3A_78 = arith.fptosi %broadcast_in_dim3A_77 : vector<256x1xf32> to vector<256x1xi32>
    %swap3A_79 = arith.constant 0 : index
    %swap3A_80 = arith.constant 2 : index
    %swap3A_81 = vector.load %arg3[%swap3A_79, %swap3A_80] : memref<256x8xi32, #tpu.memory_space<vmem>>, vector<256x1xi32>
    tpu.vector_store %arg3[%swap3A_79, %swap3A_80], %convert_element_type3A_78 {strides = array<i32>} : memref<256x8xi32, #tpu.memory_space<vmem>>, vector<256x1xi32>,
    return
  }
  func.func @transform_0(%arg0: i32) -> (i32, i32) {
    %c0_i32 = arith.constant 0 : i32
    %c0_i32_0 = arith.constant 0 : i32
    %c0_i32_1 = arith.constant 0 : i32
    return %c0_i32, %c0_i32_0 : i32, i32
  }
  func.func @transform_1(%arg0: i32) -> (i32, i32) {
    %c0_i32 = arith.constant 0 : i32
    %c0_i32_0 = arith.constant 0 : i32
    return %arg0, %c0_i32 : i32, i32
  }
  func.func @transform_2(%arg0: i32) -> (i32, i32) {
    %c0_i32 = arith.constant 0 : i32
    %c0_i32_0 = arith.constant 0 : i32
    return %arg0, %c0_i32 : i32, i32
  }
}

</mosaic_0001>

<sc_bundles>
// kernel: kernel.4.cloned.1.call-start
scs
__scs_entry_jumppad:
0x0: {  	(pc) =	sbr.rel $0x88, $3  }
0x1: {  	(tag) =	ssettag $0x0;
	lr =	simm.s32 $0x1  }
0x2: {  	[smem:$0x3FA0] =	sst lr;
	_ =	strace $0xD0000000  }
0x3: {  	_ = 	snop  }
0x4: {  	_ = 	snop  }
0x5: {  	_ = 	snop  }
0x6: {  	_ = 	snop  }
0x7: {  	_ = 	snop  }
__scs_overlays_trampoline_lowered:
0x8: {  	[smem:$0x3FAF] =	sst s0  }
0x9: {  	[smem:$0x3FB0] =	sst s1  }
0xa: {  	[smem:$0x3FB1] =	sst s2  }
0xb: {  	[smem:$0x3FB2] =	sst s3  }
0xc: {  	[smem:$0x3FB3] =	sst s4  }
0xd: {  	[smem:$0x3FB4] =	sst s5  }
0xe: {  	[smem:$0x3FB5] =	sst s6  }
0xf: {  	[smem:$0x3FB6] =	sst s7  }
0x10: {  	[smem:$0x3FB7] =	sst s8  }
0x11: {  	[smem:$0x3FB8] =	sst s9;
	s0 =	simm.s32 @!p0 $0x0  }
0x12: {  	s1 =	sld [smem:$0x3F9E];
	s0 =	simm.s32 @p0 $0x1  }
0x13: {  	[smem:$0x3FB9] =	sst s0;
	s0 =	simm.s32 @!p1 $0x0  }
0x14: {  	s2 =	sld [smem:$0x3F9D];
	s0 =	simm.s32 @p1 $0x1  }
0x15: {  	[smem:$0x3FBA] =	sst s0;
	s0 =	simm.s32 @!p2 $0x0  }
0x16: {  	s3 =	sld [smem:$0x3FDB];
	s0 =	simm.s32 @p2 $0x1  }
0x17: {  	s4 =	simm.s32 $0x1BF5;
	[smem:$0x3FBC] =	sst s0  }
0x18: {  	s0 =	sld [smem:$0x3F9F];
	_ =	swait.ge [sflag:s4], $0x0  }
0x19: {  	s7 =	sld [smem:$0x3FA0]  }
0x1a: {  	s8 =	sadd.s32 $0xFFFFE003, lr  }
0x1b: {  	s9 =	sadd.s32 $0xFFFFFEF7, lr;
	s5 =	simm.s32 $0xFFFFFFFF;
	p2 =	slt.u32 s8, $0xFFFFF086  }
0x1c: {  	p1 =	slt.u32 s9, $0xF7A;
	s5 =	simm.s32 @!p2 $0x0  }
0x1d: {  	s5 =	simm.s32 @p1 $0x1;
	p0 =	seq.s32 s7, s2  }
0x1e: {  	s7 =	smul.u32 @!p0 $0xF7A, s2;
	p2 =	seq.s32 @!p0 s5, $0x0  }
0x1f: {  	s9 =	smul.u32 $0xF7A, s1;
	s8 =	simm.s32 @!p0 $0x1BF5;
	p2 =	por !p2, p0  }
0x20: {  	[sflag:s8] =	ssyncset.s32 @!p0 $0xFFFFF086;
	s6 =	sadd.s32 @!p0 s3, s7;
	s7 =	simm.s32 @!p0 $0x108  }
0x21: {  	s3 =	sadd.s32 s3, s9;
	s6 =	sadd.s32 @!p0 $0x88, s6;
	s7 =	simm.s32 @p2 $0x1082  }
0x22: {  	[simem:s7], [sflag:s8] =	dma.local @!p0 [hbm:s6], $0xF7A  }
0x23: {  	s9 =	sor.u32 $0xD0000000, s2;
	s6 =	simm.s32 $0x108;
	_ =	swait.ge @!p0 [sflag:s8], $0x0  }
0x24: {  	s3 =	sadd.s32 $0x88, s3;
	s6 =	simm.s32 @!p1 $0x1082;
	[sflag:s4] =	ssyncset.s32 $0xFFFFF086  }
0x25: {  	[simem:s6], [sflag:s4] =	dma.local [hbm:s3], $0xF7A  }
0x26: {  	[smem:$0x3FA0] =	sst s1;
	(tag) =	ssettag s2;
	_ =	strace s9  }
0x27: {  	s1 =	sld [smem:$0x3FB0]  }
0x28: {  	s2 =	sld [smem:$0x3FB1]  }
0x29: {  	s4 =	sld [smem:$0x3FB3]  }
0x2a: {  	p0 =	seq.s32 s5, $0x0;
	s5 =	sld [smem:$0x3FB4]  }
0x2b: {  	s6 =	sld [smem:$0x3FB5]  }
0x2c: {  	s7 =	sld [smem:$0x3FB6]  }
0x2d: {  	s3 =	simm.s32 $0x108;
	s8 =	sld [smem:$0x3FB7]  }
0x2e: {  	s3 =	simm.s32 @!p0 $0x1082;
	s9 =	sld [smem:$0x3FB8]  }
0x2f: {  	lr =	sadd.s32 s0, s3;
	s0 =	sld [smem:$0x3FAF]  }
0x30: {  	s3 =	sld [smem:$0x3FB2]  }
0x31: {  	[smem:$0x3FBB] =	sst s10  }
0x32: {  	s10 =	sld [smem:$0x3FB9];
	_ =	sdelay $0x3  }
0x33: {  	p0 =	seq.s32 s10, $0x1;
	s10 =	sld [smem:$0x3FBB];
	_ =	sdelay $0x3  }
0x34: {  	[smem:$0x3FBB] =	sst s10  }
0x35: {  	s10 =	sld [smem:$0x3FBA];
	_ =	sdelay $0x3  }
0x36: {  	p1 =	seq.s32 s10, $0x1;
	s10 =	sld [smem:$0x3FBB];
	_ =	sdelay $0x3  }
0x37: {  	[smem:$0x3FBB] =	sst s10  }
0x38: {  	s10 =	sld [smem:$0x3FBC]  }
0x39: {  	_ = 	snop;
	(pc) =	sbr.ind lr, $3  }
0x3a: {  	_ = 	snop  }
0x3b: {  	_ = 	snop  }
0x3c: {  	p2 =	seq.s32 s10, $0x1;
	s10 =	sld [smem:$0x3FBB]  }
0x3d: {  	_ =	shalt  }
0x3e: {  	_ =	shalt  }
0x3f: {  	_ =	shalt  }
0x40: {  	_ =	shalt  }
0x41: {  	_ =	shalt  }
0x42: {  	_ =	shalt  }
0x43: {  	_ =	shalt  }
0x44: {  	_ =	shalt  }
0x45: {  	_ =	shalt  }
0x46: {  	_ =	shalt  }
0x47: {  	_ =	shalt  }
0x48: {  	_ =	shalt  }
0x49: {  	_ =	shalt  }
0x4a: {  	_ =	shalt  }
0x4b: {  	_ =	shalt  }
0x4c: {  	_ =	shalt  }
0x4d: {  	_ =	shalt  }
0x4e: {  	_ =	shalt  }
0x4f: {  	_ =	shalt  }
0x50: {  	_ =	shalt  }
0x51: {  	_ =	shalt  }
0x52: {  	_ =	shalt  }
0x53: {  	_ =	shalt  }
0x54: {  	_ =	shalt  }
0x55: {  	_ =	shalt  }
0x56: {  	_ =	shalt  }
0x57: {  	_ =	shalt  }
0x58: {  	_ =	shalt  }
0x59: {  	_ =	shalt  }
0x5a: {  	_ =	shalt  }
0x5b: {  	_ =	shalt  }
0x5c: {  	_ =	shalt  }
0x5d: {  	_ =	shalt  }
0x5e: {  	_ =	shalt  }
0x5f: {  	_ =	shalt  }
0x60: {  	_ =	shalt  }
0x61: {  	_ =	shalt  }
0x62: {  	_ =	shalt  }
0x63: {  	_ =	shalt  }
0x64: {  	_ =	shalt  }
0x65: {  	_ =	shalt  }
0x66: {  	_ =	shalt  }
0x67: {  	_ =	shalt  }
0x68: {  	_ =	shalt  }
0x69: {  	_ =	shalt  }
0x6a: {  	_ =	shalt  }
0x6b: {  	_ =	shalt  }
0x6c: {  	_ =	shalt  }
0x6d: {  	_ =	shalt  }
0x6e: {  	_ =	shalt  }
0x6f: {  	_ =	shalt  }
0x70: {  	_ =	shalt  }
0x71: {  	_ =	shalt  }
0x72: {  	_ =	shalt  }
0x73: {  	_ =	shalt  }
0x74: {  	_ =	shalt  }
0x75: {  	_ =	shalt  }
0x76: {  	_ =	shalt  }
0x77: {  	_ =	shalt  }
0x78: {  	_ =	shalt  }
0x79: {  	_ =	shalt  }
0x7a: {  	_ =	shalt  }
0x7b: {  	_ =	shalt  }
0x7c: {  	_ =	shalt  }
0x7d: {  	_ =	shalt  }
0x7e: {  	_ =	shalt  }
0x7f: {  	_ =	shalt  }
0x80: {  	_ =	shalt  }
0x81: {  	_ =	shalt  }
0x82: {  	_ =	shalt  }
0x83: {  	_ =	shalt  }
0x84: {  	_ =	shalt  }
0x85: {  	_ =	shalt  }
0x86: {  	_ =	shalt  }
0x87: {  	_ =	shalt  }
.Lfunc_end0:
.L_simem_size_0:
called_computation_lowered:
.L_overlay_start_0:
0x88: {  	s2 =	sld [smem:$0x3FD9]  }
0x89: {  	s3 =	sld [smem:$0x3FFE];
	_ =	sdelay $0x1  }
0x8a: {  	s1 =	srdreg.scid  }
0x8b: {  	s0 =	sand.u32 $0x1, s1  }
0x8c: {  	s17 =	sshll.u32 s0, $0xA;
	s2 =	sadd.s32 s3, s2  }
0x8d: {  	s2 =	sadd.s32 s2, s17  }
0x8e: {  	[smem:$0x3FC7] =	sst s2  }
0x8f: {  	_ = 	snop  }
0x90: {  	s2 =	sld [smem:$0x3FD0];
	(tm) =	ssettm $0x1  }
0x91: {  	s18 =	sld [smem:$0x3FFB];
	_ =	sdelay $0x3  }
0x92: {  	_ =	strace s18  }
0x93: {  	s3 =	sld [smem:$0x3FFC];
	_ =	sdelay $0x3  }
0x94: {  	_ =	strace s3  }
0x95: {  	s3 =	sld [smem:$0x3FFD];
	_ =	sdelay $0x3  }
0x96: {  	_ =	strace s3  }
0x97: {  	_ =	strace $0x8FFFFFFF  }
0x98: {  	s19 =	sld [smem:$0x3FDB];
	_ =	sdelay $0x1  }
0x99: {  	s4 =	simm.s32 $_scs_section_size  }
0x9a: {  	s5 =	simm.s32 $_size__tile_overlayer_lowered;
	s6 =	simm.s32 $_tile_overlayer_lowered  }
0x9b: {  	s22 =	simm.s32 $0x1BFF;
	s21 =	sshll.u32 s6, $0x1;
	s3 =	sadd.s32 s4, s19  }
0x9c: {  	s7 =	simm.s32 $0x0;
	s20 =	sshll.u32 s5, $0x1;
	s5 =	sadd.s32 s21, s3  }
0x9d: {  	[timem:s7], [sflag:s22] =	dma.local [hbm:s5], s20  }
0x9e: {  	_ =	swait.ge [sflag:s22], s20  }
0x9f: {  	s4 =	ssub.s32 $0x0, s20;
	[sflag:s22] =	ssyncset.done $0x0  }
0xa0: {  	[sflag:s22] =	ssyncadd.s32 s4;
	_ =	sdelay $0x1  }
0xa1: {  	s23 =	simm.s32 $0x1B8B  }
0xa2: {  	_ =	swait.ge [sflag:s23], $0x1  }
0xa3: {  	[sflag:s23] =	ssyncset.done $0x0  }
0xa4: {  	s25 =	simm.s32 $0x1B8E;
	s24 =	sld [smem:$0x3FFE];
	[sflag:s23] =	ssyncadd.s32 $0xFFFFFFFF  }
0xa5: {  	s26 =	simm.s32 $execute0_lowered;
	[smem:$0x3FD2] =	sst s25  }
0xa6: {  	s5 =	sshll.u32 s26, $0x1;
	_ =	strace $0x80000046;
	[dreg:$0x1] =	wrdreg $0xFFFFFFFF  }
0xa7: {  	s28 =	simm.s32 $_size_execute0_lowered;
	s3 =	sadd.s32 s3, s5;
	[dreg:$0x0] =	wrdreg $0x0  }
0xa8: {  	s5 =	sshll.u32 s28, $0x1;
	[dreg:$0x2] =	wrdreg s3  }
0xa9: {  	[dreg:$0x3] =	wrdreg s5  }
0xaa: {  	[dreg:$0x4] =	wrdreg $0xC0  }
0xab: {  	_ =	task [dreg:s7], $0x5FFFF  }
0xac: {  	[dreg:$0x1] =	wrdreg $0xFFFFFFFF  }
0xad: {  	[dreg:$0x0] =	wrdreg $0x60  }
0xae: {  	[dreg:$0x2] =	wrdreg s24  }
0xaf: {  	[dreg:$0x3] =	wrdreg s2  }
0xb0: {  	[dreg:$0x4] =	wrdreg $0x9  }
0xb1: {  	_ =	task.clear_ibuf [dreg:s7], $0x5FFFF;
	_ =	strace $0x90000046  }
0xb2: {  	s29 =	simm.s32 $0x9;
	_ =	strace $0x80000048  }
0xb3: {  	_ =	swait.ge [sflag:s29], $0x1  }
0xb4: {  	[sflag:s29] =	ssyncadd.s32 $0xFFFFFFFF  }
0xb5: {  	_ =	strace $0x90000048  }
0xb6: {  	_ =	sfence  }
0xb7: {  	s30 =	sld [smem:$0x0];
	_ =	sdelay $0x2  }
0xb8: {  	s31 =	sshll.u32 s1, $0xD;
	s1 =	sshrl.u32 s1, $0x2  }
0xb9: {  	s3 =	sand.u32 $0x4000, s31;
	s1 =	sadd.s32 s1, s30  }
0xba: {  	s0 =	sor.u32 s3, s0;
	s1 =	sshll.u32 s1, $0x11  }
0xbb: {  	s0 =	sor.u32 s1, s0  }
0xbc: {  	s0 =	sadd.s32 $0x8F2B, s0  }
0xbd: {  	[sflag:s0] =	ssyncadd.remote.s32 $0x1  }
0xbe: {  	_ =	sfence.sel $0xFFFF  }
0xbf: {  	[dreg:$0x0] =	wrdreg $0xFFFFFFFF;
	(pc) =	sbr.abs _section_cstart, $3  }
0xc0: {  	[dreg:$0x1] =	wrdreg $0xFFFFFFFF  }
0xc1: {  	_ =	task.clear_ibuf [dreg:s7], $0x2FFFF;
	_ =	strace $0x9FFFFFFF  }
0xc2: {  	(tm) =	ssettm $0x7FFFFFFF  }
0xc3: {  	_ =	shalt  }
tec
execute0_lowered:
.L_overlay_start_1:
0x0: {  	(tag) =	ssettag $0x1  }
0x1: {  	s0 =	srdreg.scid  }
0x2: {  	s1 =	rddreg [dreg:$0x0];
	s12 =	stileid.u32;
	s3 =	simm.s32 $0x0  }
0x3: {  	s19 =	simm.s32 $0x1;
	s20 =	simm.s32 $0x2800;
	s21 =	simm.s32 $0x5000  }
0x4: {  	s28 =	simm.s32 $0x7F80;
	s29 =	simm.s32 $0x8100;
	s30 =	simm.s32 $0x8280  }
0x5: {  	s31 =	simm.s32 $0x8400;
	s0 =	sand.u32 $0x1, s0;
	[smem:$0x7FF] =	sst s3  }
0x6: {  	s4 =	sadd.s32 $0x1000, s1;
	s25 =	smul.u32 $0x500, s12;
	s2 =	sshll.u32 s0, $0x4  }
0x7: {  	s7 =	ssub.s32 $0x2, s0;
	s0 =	smul.u32 $0x5000, s0;
	s2 =	sor.u32 s12, s2  }
0x8: {  	s6 =	sadd.s32 $0xA00, s1;
	s8 =	sshrl.u32 s7, $0x1;
	s2 =	smul.u32 $0x140, s2  }
0x9: {  	_ =	strace $0x80000047;
	s24 =	ssub.s32 s7, s8;
	s0 =	sadd.s32 s25, s0  }
0xa: {  	s18 =	smax.u32 s24, $0x1;
	s0 =	sshrl.u32 s0, $0x2;
	s2 =	sshrl.u32 s2, $0x3  }
0xb: {  	s26 =	sadd.s32 $0x2800, s0;
	s22 =	sadd.s32 $0x5000, s0;
	v0 =	vmov s0;
	s0 =	simm.s32 $0x8700  }
0xc: {  	s5 =	sadd.s32 s1, s2;
	s1 =	simm.s32 $0x8580;
	s2 =	simm.s32 $0x8880  }
0xd: {  	v2 =	vmov s22;
	s22 =	simm.s32 $0x0;
	s7 =	sadd.s32 $0x1C00, s5;
	s8 =	sadd.s32 $0x1600, s5  }
0xe: {  	s9 =	sadd.s32 $0x2200, s5;
	s10 =	sadd.s32 $0x2800, s5;
	s11 =	sadd.s32 $0x2E00, s5  }
0xf: {  	s12 =	sadd.s32 $0x3400, s5;
	s13 =	sadd.s32 $0x3A00, s5;
	s14 =	sadd.s32 $0x4000, s5  }
0x10: {  	v1 =	vmov s26;
	s15 =	sadd.s32 $0x4600, s5;
	s16 =	sadd.s32 $0x4C00, s5;
	s17 =	sadd.s32 $0x5200, s5  }
.LBB2_1:
0x11: {  	[tilespmem:s3], [sflag:$0x1] =	stream.linear.gather [hbm4b:s4+s3], $0x2800, $0x38;
	[tilespmem:$0x8A00] =	vst v63  }
0x12: {  	_ =	swait.ge [sflag:s19], $0x2800  }
0x13: {  	[sflag:s19] =	ssyncset.done $0x0  }
0x14: {  	[sflag:s19] =	ssyncadd.s32 $0xFFFFD800  }
0x15: {  	[tilespmem:s20], [sflag:$0x1] =	stream.linear.gather [hbm4b:s6+s3], $0x2800, $0x38;
	[tilespmem:$0x8A00] =	vst v63  }
0x16: {  	_ =	swait.ge [sflag:s19], $0x2800  }
0x17: {  	[sflag:s19] =	ssyncset.done $0x0  }
0x18: {  	[sflag:s19] =	ssyncadd.s32 $0xFFFFD800  }
0x19: {  	s23 =	rddreg [dreg:$0x1]  }
0x1a: {  	[tilespmem:s21], [sflag:$0x1] =	stream.linear.gather [hbm4b:s23+s3], $0x2800, $0x38;
	[tilespmem:$0x8A00] =	vst v63  }
0x1b: {  	_ =	swait.ge [sflag:s19], $0x2800  }
0x1c: {  	[sflag:s19] =	ssyncset.done $0x0  }
0x1d: {  	s24 =	simm.s32 $0x7800;
	[sflag:s19] =	ssyncadd.s32 $0xFFFFD800  }
0x1e: {  	[tilespmem:s24], [sflag:$0x1] =	stream.linear.gather [hbm4b:s7+s3], $0x140, $0x38;
	[tilespmem:$0x8A00] =	vst v63  }
0x1f: {  	_ =	swait.ge [sflag:s19], $0x140  }
0x20: {  	[sflag:s19] =	ssyncset.done $0x0  }
0x21: {  	s25 =	simm.s32 $0x7980;
	[sflag:s19] =	ssyncadd.s32 $0xFFFFFEC0  }
0x22: {  	[tilespmem:s25], [sflag:$0x1] =	stream.linear.gather [hbm4b:s8+s3], $0x140, $0x38;
	[tilespmem:$0x8A00] =	vst v63  }
0x23: {  	_ =	swait.ge [sflag:s19], $0x140  }
0x24: {  	[sflag:s19] =	ssyncset.done $0x0  }
0x25: {  	s26 =	simm.s32 $0x7B00;
	[sflag:s19] =	ssyncadd.s32 $0xFFFFFEC0  }
0x26: {  	[tilespmem:s26], [sflag:$0x1] =	stream.linear.gather [hbm4b:s5+s3], $0x140, $0x38;
	[tilespmem:$0x8A00] =	vst v63  }
0x27: {  	_ =	swait.ge [sflag:s19], $0x140  }
0x28: {  	[sflag:s19] =	ssyncset.done $0x0  }
0x29: {  	s23 =	simm.s32 $0x0;
	[sflag:s19] =	ssyncadd.s32 $0xFFFFFEC0  }
0x2a: {  	v3 =	vld [tilespmem:s23+$0x7800];
	_ =	sdelay $0x5  }
0x2b: {  	v4 =	vld.idx.msk [tilespmem:v0+s23+$0x0 ss:$0x1], $0xffff  }
0x2c: {  	v5 =	vld.idx.msk [tilespmem:v1+s23+$0x0 ss:$0x1], $0xffff  }
0x2d: {  	v6 =	vld.idx.msk [tilespmem:v3+s3+$0x0], $0xffff  }
0x2e: {  	v7 =	vld.idx.msk [tilespmem:v3+s20+$0x0], $0xffff  }
0x2f: {  	v8 =	vld.idx.msk [tilespmem:v2+s23+$0x0 ss:$0x1], $0xffff  }
0x30: {  	v3 =	vld.idx.msk [tilespmem:v3+s21+$0x0], $0xffff;
	_ =	sdelay $0x2  }
0x31: {  	v6 =	vsub.f32 v6, v4;
	v7 =	vsub.f32 v7, v5;
	_ =	sdelay $0x1  }
0x32: {  	v3 =	vsub.f32 v3, v8;
	v9 =	vmul.f32 v6, v6;
	v10 =	vmul.f32 v7, v7;
	_ =	sdelay $0x1  }
0x33: {  	v9 =	vadd.f32 v10, v9;
	v10 =	vmul.f32 v3, v3;
	_ =	sdelay $0x1  }
0x34: {  	v9 =	vadd.f32 v10, v9;
	_ =	sdelay $0x1  }
0x35: {  	v10 =	vmax.f32 v9, $1.000000020e-35  }
0x36: {  	v11 =	vmul.f32 $5.000000000e-01, v10;
	v10 =	vshra.s32 v10, $0x1  }
0x37: {  	v10 =	vsub.s32 $0x5F3759DF, v10  }
0x38: {  	v12 =	vmul.f32 v10, v11;
	_ =	sdelay $0x1  }
0x39: {  	v12 =	vmul.f32 v10, v12;
	_ =	sdelay $0x1  }
0x3a: {  	v12 =	vsub.f32 $1.500000000e+00, v12;
	_ =	sdelay $0x1  }
0x3b: {  	v10 =	vmul.f32 v10, v12;
	_ =	sdelay $0x1  }
0x3c: {  	v12 =	vmul.f32 v10, v11;
	_ =	sdelay $0x1  }
0x3d: {  	v12 =	vmul.f32 v12, v10;
	_ =	sdelay $0x1  }
0x3e: {  	v12 =	vsub.f32 $1.500000000e+00, v12;
	_ =	sdelay $0x1  }
0x3f: {  	v10 =	vmul.f32 v12, v10;
	_ =	sdelay $0x1  }
0x40: {  	v11 =	vmul.f32 v10, v11;
	_ =	sdelay $0x1  }
0x41: {  	v11 =	vmul.f32 v11, v10;
	_ =	sdelay $0x1  }
0x42: {  	v11 =	vsub.f32 $1.500000000e+00, v11;
	_ =	sdelay $0x1  }
0x43: {  	v10 =	vmul.f32 v11, v10;
	_ =	sdelay $0x1  }
0x44: {  	v11 =	vld [tilespmem:s23+$0x7980];
	v9 =	vmul.f32 v10, v9;
	_ =	sdelay $0x1  }
0x45: {  	v9 =	vadd.f32 $9.999999960e-13, v9;
	_ =	sdelay $0x1  }
0x46: {  	(erf) = vrcp.f32 v9;
	_ =	sdelay $0x3  }
0x47: {  	v9 =	vld.idx.msk [tilespmem:v11+s20+$0x0], $0xffff  }
0x48: {  	v10 =	vld.idx.msk [tilespmem:v11+s3+$0x0], $0xffff;
	_ =	sdelay $0x1  }
0x49: {  	v11 =	vld.idx.msk [tilespmem:v11+s21+$0x0], $0xffff;
	_ =	sdelay $0x1  }
0x4a: {  	v9 =	vsub.f32 v9, v5;
	v45 =	vpop (erf)  }
0x4b: {  	v10 =	vsub.f32 v10, v4;
	v13 =	vmul.f32 v45, v6;
	v7 =	vmul.f32 v45, v7  }
0x4c: {  	v3 =	vmul.f32 v45, v3  }
0x4d: {  	v6 =	vsub.f32 v11, v8;
	v11 =	vmul.f32 v13, v10;
	v46 =	vmul.f32 v7, v9;
	_ =	sdelay $0x1  }
0x4e: {  	v47 =	vmul.f32 v3, v6;
	v11 =	vadd.f32 v46, v11;
	_ =	sdelay $0x1  }
0x4f: {  	v11 =	vadd.f32 v11, v47;
	_ =	sdelay $0x1  }
0x50: {  	v12 =	vmul.f32 v11, v13;
	v14 =	vmul.f32 v11, v7;
	_ =	sdelay $0x1  }
0x51: {  	v11 =	vmul.f32 v11, v3;
	v10 =	vsub.f32 v10, v12;
	v9 =	vsub.f32 v9, v14;
	_ =	sdelay $0x1  }
0x52: {  	v6 =	vsub.f32 v6, v11;
	v11 =	vmul.f32 v10, v10;
	v48 =	vmul.f32 v9, v9;
	_ =	sdelay $0x1  }
0x53: {  	v49 =	vmul.f32 v6, v6;
	v11 =	vadd.f32 v48, v11;
	_ =	sdelay $0x1  }
0x54: {  	v11 =	vadd.f32 v11, v49;
	_ =	sdelay $0x1  }
0x55: {  	v12 =	vmax.f32 v11, $1.000000020e-35  }
0x56: {  	v50 =	vmul.f32 $5.000000000e-01, v12;
	v12 =	vshra.s32 v12, $0x1  }
0x57: {  	v12 =	vsub.s32 $0x5F3759DF, v12  }
0x58: {  	v15 =	vmul.f32 v12, v50;
	_ =	sdelay $0x1  }
0x59: {  	v15 =	vmul.f32 v12, v15;
	_ =	sdelay $0x1  }
0x5a: {  	v15 =	vsub.f32 $1.500000000e+00, v15;
	_ =	sdelay $0x1  }
0x5b: {  	v12 =	vmul.f32 v12, v15;
	_ =	sdelay $0x1  }
0x5c: {  	v15 =	vmul.f32 v12, v50;
	_ =	sdelay $0x1  }
0x5d: {  	v15 =	vmul.f32 v15, v12;
	_ =	sdelay $0x1  }
0x5e: {  	v15 =	vsub.f32 $1.500000000e+00, v15;
	_ =	sdelay $0x1  }
0x5f: {  	v12 =	vmul.f32 v15, v12;
	_ =	sdelay $0x1  }
0x60: {  	v14 =	vmul.f32 v12, v50;
	_ =	sdelay $0x1  }
0x61: {  	v14 =	vmul.f32 v14, v12;
	_ =	sdelay $0x1  }
0x62: {  	v14 =	vsub.f32 $1.500000000e+00, v14  }
0x63: {  	v51 =	vld [tilespmem:s23+$0x7B00]  }
0x64: {  	v12 =	vmul.f32 v14, v12;
	_ =	sdelay $0x1  }
0x65: {  	v11 =	vmul.f32 v12, v11;
	_ =	sdelay $0x1  }
0x66: {  	v11 =	vadd.f32 $9.999999960e-13, v11;
	_ =	sdelay $0x1  }
0x67: {  	(erf) = vrcp.f32 v11  }
0x68: {  	v52 =	vld.idx.msk [tilespmem:v51+s20+$0x0], $0xffff  }
0x69: {  	v11 =	vld.idx.msk [tilespmem:v51+s3+$0x0], $0xffff;
	_ =	sdelay $0x1  }
0x6a: {  	v53 =	vld.idx.msk [tilespmem:v51+s21+$0x0], $0xffff;
	_ =	sdelay $0x2  }
0x6b: {  	v5 =	vsub.f32 v52, v5;
	v4 =	vsub.f32 v11, v4;
	_ =	sdelay $0x1  }
0x6c: {  	v8 =	vsub.f32 v53, v8;
	v12 =	vmul.f32 v7, v5;
	v11 =	vmul.f32 v13, v4;
	v54 =	vpop (erf)  }
0x6d: {  	v10 =	vmul.f32 v54, v10;
	v9 =	vmul.f32 v54, v9  }
0x6e: {  	v55 =	vmul.f32 v3, v8;
	v11 =	vadd.f32 v12, v11;
	v14 =	vmul.f32 v54, v6  }
0x6f: {  	v6 =	vmul.f32 v10, v4;
	v56 =	vmul.f32 v9, v5  }
0x70: {  	v11 =	vadd.f32 v11, v55  }
0x71: {  	v57 =	vmul.f32 v14, v8;
	v6 =	vadd.f32 v56, v6  }
0x72: {  	v58 =	vmul.f32 v11, v13  }
0x73: {  	v59 =	vmul.f32 v11, v7;
	v6 =	vadd.f32 v6, v57  }
0x74: {  	v11 =	vmul.f32 v11, v3;
	v4 =	vsub.f32 v4, v58  }
0x75: {  	v5 =	vsub.f32 v5, v59;
	v60 =	vmul.f32 v6, v10;
	v61 =	vmul.f32 v6, v9  }
0x76: {  	v8 =	vsub.f32 v8, v11  }
0x77: {  	v6 =	vmul.f32 v6, v14;
	v4 =	vsub.f32 v4, v60;
	v5 =	vsub.f32 v5, v61;
	_ =	sdelay $0x1  }
0x78: {  	v6 =	vsub.f32 v8, v6;
	v8 =	vmul.f32 v4, v4;
	v11 =	vmul.f32 v5, v5;
	_ =	sdelay $0x1  }
0x79: {  	v8 =	vadd.f32 v11, v8;
	v11 =	vmul.f32 v6, v6;
	_ =	sdelay $0x1  }
0x7a: {  	v8 =	vadd.f32 v8, v11;
	_ =	sdelay $0x1  }
0x7b: {  	v11 =	vmax.f32 v8, $1.000000020e-35  }
0x7c: {  	v62 =	vmul.f32 $5.000000000e-01, v11;
	v11 =	vshra.s32 v11, $0x1  }
0x7d: {  	v11 =	vsub.s32 $0x5F3759DF, v11  }
0x7e: {  	v63 =	vmul.f32 v11, v62;
	_ =	sdelay $0x1  }
0x7f: {  	v15 =	vmul.f32 v11, v63;
	_ =	sdelay $0x1  }
0x80: {  	v15 =	vsub.f32 $1.500000000e+00, v15;
	_ =	sdelay $0x1  }
0x81: {  	v11 =	vmul.f32 v11, v15;
	_ =	sdelay $0x1  }
0x82: {  	v15 =	vmul.f32 v11, v62;
	_ =	sdelay $0x1  }
0x83: {  	v15 =	vmul.f32 v15, v11;
	_ =	sdelay $0x1  }
0x84: {  	v15 =	vsub.f32 $1.500000000e+00, v15;
	_ =	sdelay $0x1  }
0x85: {  	v11 =	vmul.f32 v15, v11;
	_ =	sdelay $0x1  }
0x86: {  	v12 =	vmul.f32 v11, v62;
	_ =	sdelay $0x1  }
0x87: {  	v12 =	vmul.f32 v12, v11;
	_ =	sdelay $0x1  }
0x88: {  	v12 =	vsub.f32 $1.500000000e+00, v12;
	_ =	sdelay $0x1  }
0x89: {  	v11 =	vmul.f32 v12, v11;
	_ =	sdelay $0x1  }
0x8a: {  	v8 =	vmul.f32 v11, v8;
	_ =	sdelay $0x1  }
0x8b: {  	v8 =	vadd.f32 $9.999999960e-13, v8;
	_ =	sdelay $0x1  }
0x8c: {  	(erf) = vrcp.f32 v8;
	_ =	sdelay $0x1  }
0x8d: {  	[tilespmem:s23+$0x7C80] =	vst v13  }
0x8e: {  	[tilespmem:s23+$0x7F80] =	vst v3  }
0x8f: {  	[tilespmem:s23+$0x7E00] =	vst v7  }
0x90: {  	[tilespmem:s23+$0x8100] =	vst v10  }
0x91: {  	[tilespmem:s23+$0x8400] =	vst v14  }
0x92: {  	s26 =	simm.s32 $0x10;
	[tilespmem:s23+$0x8280] =	vst v9  }
0x93: {  	v7 =	vld [tilespmem:s26+$0x7800]  }
0x94: {  	s24 =	simm.s32 $0x80;
	v3 =	vld [tilespmem:s26+$0x7980];
	v8 =	vpop (erf)  }
.LBB2_2:
0x95: {  	p0 =	sne.s32 s24, $0x4C0;
	v6 =	vmul.f32 v8, v6;
	s25 =	smov.u32 s24;
	s24 =	sadd.s32 $0x40, s24  }
0x96: {  	v4 =	vmul.f32 v8, v4;
	v5 =	vmul.f32 v8, v5  }
0x97: {  	[tilespmem:s23+$0x8880] =	vst v6  }
0x98: {  	[tilespmem:s23+$0x8580] =	vst v4  }
0x99: {  	[tilespmem:s23+$0x8700] =	vst v5;
	s23 =	smov.u32 s26  }
0x9a: {  	v4 =	vld.idx.msk [tilespmem:v0+s23+$0x0 ss:$0x1], $0xffff  }
0x9b: {  	v5 =	vld.idx.msk [tilespmem:v1+s23+$0x0 ss:$0x1], $0xffff  }
0x9c: {  	v6 =	vld.idx.msk [tilespmem:v7+s3+$0x0], $0xffff  }
0x9d: {  	v8 =	vld.idx.msk [tilespmem:v7+s20+$0x0], $0xffff  }
0x9e: {  	v9 =	vld.idx.msk [tilespmem:v2+s23+$0x0 ss:$0x1], $0xffff  }
0x9f: {  	v7 =	vld.idx.msk [tilespmem:v7+s21+$0x0], $0xffff;
	_ =	sdelay $0x3  }
0xa0: {  	v6 =	vsub.f32 v6, v4;
	v8 =	vsub.f32 v8, v5;
	_ =	sdelay $0x1  }
0xa1: {  	v10 =	vmul.f32 v6, v6;
	v7 =	vsub.f32 v7, v9;
	v11 =	vmul.f32 v8, v8;
	_ =	sdelay $0x1  }
0xa2: {  	v10 =	vadd.f32 v11, v10;
	v11 =	vmul.f32 v7, v7;
	_ =	sdelay $0x1  }
0xa3: {  	v10 =	vadd.f32 v11, v10;
	_ =	sdelay $0x1  }
0xa4: {  	v11 =	vmax.f32 v10, $1.000000020e-35  }
0xa5: {  	v12 =	vmul.f32 $5.000000000e-01, v11;
	v11 =	vshra.s32 v11, $0x1  }
0xa6: {  	v11 =	vsub.s32 $0x5F3759DF, v11  }
0xa7: {  	v13 =	vmul.f32 v11, v12;
	_ =	sdelay $0x1  }
0xa8: {  	v13 =	vmul.f32 v11, v13;
	_ =	sdelay $0x1  }
0xa9: {  	v13 =	vsub.f32 $1.500000000e+00, v13;
	_ =	sdelay $0x1  }
0xaa: {  	v11 =	vmul.f32 v11, v13;
	_ =	sdelay $0x1  }
0xab: {  	v13 =	vmul.f32 v11, v12;
	_ =	sdelay $0x1  }
0xac: {  	v13 =	vmul.f32 v13, v11;
	_ =	sdelay $0x1  }
0xad: {  	v13 =	vsub.f32 $1.500000000e+00, v13;
	_ =	sdelay $0x1  }
0xae: {  	v11 =	vmul.f32 v13, v11;
	_ =	sdelay $0x1  }
0xaf: {  	v12 =	vmul.f32 v11, v12;
	_ =	sdelay $0x1  }
0xb0: {  	v12 =	vmul.f32 v12, v11;
	_ =	sdelay $0x1  }
0xb1: {  	v12 =	vsub.f32 $1.500000000e+00, v12;
	_ =	sdelay $0x1  }
0xb2: {  	v11 =	vmul.f32 v12, v11;
	v13 =	vld [tilespmem:s23+$0x7B00];
	_ =	sdelay $0x1  }
0xb3: {  	v10 =	vmul.f32 v11, v10;
	_ =	sdelay $0x1  }
0xb4: {  	v10 =	vadd.f32 $9.999999960e-13, v10;
	_ =	sdelay $0x1  }
0xb5: {  	(erf) = vrcp.f32 v10;
	_ =	sdelay $0x1  }
0xb6: {  	v10 =	vld.idx.msk [tilespmem:v13+s3+$0x0], $0xffff  }
0xb7: {  	v11 =	vld.idx.msk [tilespmem:v3+s20+$0x0], $0xffff  }
0xb8: {  	v12 =	vld.idx.msk [tilespmem:v3+s3+$0x0], $0xffff  }
0xb9: {  	v14 =	vld.idx.msk [tilespmem:v13+s20+$0x0], $0xffff  }
0xba: {  	v3 =	vld.idx.msk [tilespmem:v3+s21+$0x0], $0xffff  }
0xbb: {  	v13 =	vld.idx.msk [tilespmem:v13+s21+$0x0], $0xffff;
	_ =	sdelay $0x1  }
0xbc: {  	v11 =	vsub.f32 v11, v5;
	v15 =	vpop (erf)  }
0xbd: {  	v12 =	vsub.f32 v12, v4;
	v6 =	vmul.f32 v15, v6;
	v8 =	vmul.f32 v15, v8  }
0xbe: {  	v4 =	vsub.f32 v10, v4;
	v5 =	vsub.f32 v14, v5;
	v7 =	vmul.f32 v15, v7  }
0xbf: {  	v3 =	vsub.f32 v3, v9;
	v10 =	vmul.f32 v6, v12;
	v14 =	vmul.f32 v8, v11;
	[tilespmem:s23+$0x7C80] =	vst v6  }
0xc0: {  	v9 =	vsub.f32 v13, v9;
	v13 =	vmul.f32 v6, v4;
	v15 =	vmul.f32 v8, v5;
	[tilespmem:s23+$0x7F80] =	vst v7  }
0xc1: {  	v10 =	vadd.f32 v14, v10;
	v14 =	vmul.f32 v7, v3;
	[tilespmem:s23+$0x7E00] =	vst v8  }
0xc2: {  	v13 =	vadd.f32 v15, v13;
	v15 =	vmul.f32 v7, v9  }
0xc3: {  	v10 =	vadd.f32 v10, v14  }
0xc4: {  	v13 =	vadd.f32 v13, v15  }
0xc5: {  	v14 =	vmul.f32 v10, v6;
	v15 =	vmul.f32 v10, v8  }
0xc6: {  	v10 =	vmul.f32 v10, v7;
	v6 =	vmul.f32 v13, v6  }
0xc7: {  	v8 =	vmul.f32 v13, v8;
	v12 =	vsub.f32 v12, v14;
	v11 =	vsub.f32 v11, v15  }
0xc8: {  	v7 =	vmul.f32 v13, v7;
	v3 =	vsub.f32 v3, v10;
	v6 =	vsub.f32 v4, v6  }
0xc9: {  	v8 =	vsub.f32 v5, v8;
	v10 =	vmul.f32 v12, v12;
	v13 =	vmul.f32 v11, v11  }
0xca: {  	v7 =	vsub.f32 v9, v7  }
0xcb: {  	v10 =	vadd.f32 v13, v10;
	v13 =	vmul.f32 v3, v3;
	_ =	sdelay $0x1  }
0xcc: {  	v10 =	vadd.f32 v10, v13;
	_ =	sdelay $0x1  }
0xcd: {  	v13 =	vmax.f32 v10, $1.000000020e-35  }
0xce: {  	v14 =	vmul.f32 $5.000000000e-01, v13;
	v13 =	vshra.s32 v13, $0x1  }
0xcf: {  	v13 =	vsub.s32 $0x5F3759DF, v13  }
0xd0: {  	v15 =	vmul.f32 v13, v14;
	_ =	sdelay $0x1  }
0xd1: {  	v15 =	vmul.f32 v13, v15;
	_ =	sdelay $0x1  }
0xd2: {  	v15 =	vsub.f32 $1.500000000e+00, v15;
	_ =	sdelay $0x1  }
0xd3: {  	v13 =	vmul.f32 v13, v15;
	_ =	sdelay $0x1  }
0xd4: {  	v15 =	vmul.f32 v13, v14;
	_ =	sdelay $0x1  }
0xd5: {  	v15 =	vmul.f32 v15, v13;
	_ =	sdelay $0x1  }
0xd6: {  	v15 =	vsub.f32 $1.500000000e+00, v15;
	_ =	sdelay $0x1  }
0xd7: {  	v13 =	vmul.f32 v15, v13;
	_ =	sdelay $0x1  }
0xd8: {  	v14 =	vmul.f32 v13, v14;
	_ =	sdelay $0x1  }
0xd9: {  	v14 =	vmul.f32 v14, v13;
	_ =	sdelay $0x1  }
0xda: {  	v14 =	vsub.f32 $1.500000000e+00, v14;
	_ =	sdelay $0x1  }
0xdb: {  	v13 =	vmul.f32 v14, v13;
	_ =	sdelay $0x1  }
0xdc: {  	v10 =	vmul.f32 v13, v10;
	_ =	sdelay $0x1  }
0xdd: {  	v10 =	vadd.f32 $9.999999960e-13, v10;
	_ =	sdelay $0x1  }
0xde: {  	(erf) = vrcp.f32 v10;
	_ =	sdelay $0x8  }
0xdf: {  	v10 =	vpop (erf)  }
0xe0: {  	v12 =	vmul.f32 v10, v12;
	v11 =	vmul.f32 v10, v11  }
0xe1: {  	v3 =	vmul.f32 v10, v3  }
0xe2: {  	v4 =	vmul.f32 v12, v4;
	v5 =	vmul.f32 v11, v5;
	[tilespmem:s23+$0x8100] =	vst v12  }
0xe3: {  	[tilespmem:s23+$0x8400] =	vst v3  }
0xe4: {  	v4 =	vadd.f32 v5, v4;
	v5 =	vmul.f32 v3, v9;
	[tilespmem:s23+$0x8280] =	vst v11;
	_ =	sdelay $0x1  }
0xe5: {  	v4 =	vadd.f32 v4, v5;
	_ =	sdelay $0x1  }
0xe6: {  	v5 =	vmul.f32 v4, v12;
	v9 =	vmul.f32 v4, v11  }
0xe7: {  	v3 =	vmul.f32 v4, v3  }
0xe8: {  	v4 =	vsub.f32 v6, v5;
	v5 =	vsub.f32 v8, v9;
	_ =	sdelay $0x1  }
0xe9: {  	v6 =	vsub.f32 v7, v3;
	v3 =	vmul.f32 v4, v4;
	v7 =	vmul.f32 v5, v5;
	_ =	sdelay $0x1  }
0xea: {  	v3 =	vadd.f32 v7, v3;
	v7 =	vmul.f32 v6, v6;
	_ =	sdelay $0x1  }
0xeb: {  	v3 =	vadd.f32 v3, v7;
	_ =	sdelay $0x1  }
0xec: {  	v7 =	vmax.f32 v3, $1.000000020e-35  }
0xed: {  	v8 =	vmul.f32 $5.000000000e-01, v7;
	v7 =	vshra.s32 v7, $0x1  }
0xee: {  	v7 =	vsub.s32 $0x5F3759DF, v7  }
0xef: {  	v9 =	vmul.f32 v7, v8;
	_ =	sdelay $0x1  }
0xf0: {  	v9 =	vmul.f32 v7, v9;
	_ =	sdelay $0x1  }
0xf1: {  	v9 =	vsub.f32 $1.500000000e+00, v9;
	_ =	sdelay $0x1  }
0xf2: {  	v7 =	vmul.f32 v7, v9;
	_ =	sdelay $0x1  }
0xf3: {  	v9 =	vmul.f32 v7, v8;
	_ =	sdelay $0x1  }
0xf4: {  	v9 =	vmul.f32 v9, v7;
	_ =	sdelay $0x1  }
0xf5: {  	v9 =	vsub.f32 $1.500000000e+00, v9;
	_ =	sdelay $0x1  }
0xf6: {  	v7 =	vmul.f32 v9, v7;
	_ =	sdelay $0x1  }
0xf7: {  	v8 =	vmul.f32 v7, v8;
	_ =	sdelay $0x1  }
0xf8: {  	v8 =	vmul.f32 v8, v7;
	_ =	sdelay $0x1  }
0xf9: {  	v8 =	vsub.f32 $1.500000000e+00, v8;
	_ =	sdelay $0x1  }
0xfa: {  	v7 =	vmul.f32 v8, v7;
	_ =	sdelay $0x1  }
0xfb: {  	v3 =	vmul.f32 v7, v3;
	_ =	sdelay $0x1  }
0xfc: {  	v3 =	vadd.f32 $9.999999960e-13, v3;
	_ =	sdelay $0x1  }
0xfd: {  	(erf) = vrcp.f32 v3;
	_ =	sdelay $0x4  }
.Ltmp0:
0xfe: {  	(pc) =	sbr.rel @p0 .LBB2_2-.Ltmp0, $4  }
0xff: {  	_ = 	snop  }
0x100: {  	s26 =	sshra.s32 s25, $0x2  }
0x101: {  	v7 =	vld [tilespmem:s26+$0x7800]  }
0x102: {  	v3 =	vld [tilespmem:s26+$0x7980];
	v8 =	vpop (erf)  }
0x103: {  	v6 =	vmul.f32 v8, v6  }
0x104: {  	v4 =	vmul.f32 v8, v4  }
0x105: {  	v5 =	vmul.f32 v8, v5;
	[tilespmem:s23+$0x8880] =	vst v6  }
0x106: {  	[tilespmem:s23+$0x8580] =	vst v4  }
0x107: {  	[tilespmem:s23+$0x8700] =	vst v5  }
0x108: {  	v4 =	vld.idx.msk [tilespmem:v0+s26+$0x0 ss:$0x1], $0xffff  }
0x109: {  	v5 =	vld.idx.msk [tilespmem:v1+s26+$0x0 ss:$0x1], $0xffff  }
0x10a: {  	v6 =	vld.idx.msk [tilespmem:v7+s3+$0x0], $0xffff  }
0x10b: {  	v30 =	vld.idx.msk [tilespmem:v7+s20+$0x0], $0xffff  }
0x10c: {  	v9 =	vld.idx.msk [tilespmem:v2+s26+$0x0 ss:$0x1], $0xffff  }
0x10d: {  	v31 =	vld.idx.msk [tilespmem:v7+s21+$0x0], $0xffff;
	_ =	sdelay $0x2  }
0x10e: {  	v6 =	vsub.f32 v6, v4;
	v8 =	vsub.f32 v30, v5;
	_ =	sdelay $0x1  }
0x10f: {  	v7 =	vsub.f32 v31, v9;
	v10 =	vmul.f32 v6, v6;
	v11 =	vmul.f32 v8, v8;
	_ =	sdelay $0x1  }
0x110: {  	v32 =	vmul.f32 v7, v7;
	v10 =	vadd.f32 v11, v10;
	_ =	sdelay $0x1  }
0x111: {  	v10 =	vadd.f32 v32, v10;
	_ =	sdelay $0x1  }
0x112: {  	v11 =	vmax.f32 v10, $1.000000020e-35  }
0x113: {  	v12 =	vmul.f32 $5.000000000e-01, v11;
	v11 =	vshra.s32 v11, $0x1  }
0x114: {  	v11 =	vsub.s32 $0x5F3759DF, v11  }
0x115: {  	v13 =	vmul.f32 v11, v12;
	_ =	sdelay $0x1  }
0x116: {  	v13 =	vmul.f32 v11, v13;
	_ =	sdelay $0x1  }
0x117: {  	v13 =	vsub.f32 $1.500000000e+00, v13;
	_ =	sdelay $0x1  }
0x118: {  	v11 =	vmul.f32 v11, v13;
	_ =	sdelay $0x1  }
0x119: {  	v13 =	vmul.f32 v11, v12;
	_ =	sdelay $0x1  }
0x11a: {  	v13 =	vmul.f32 v13, v11;
	_ =	sdelay $0x1  }
0x11b: {  	v13 =	vsub.f32 $1.500000000e+00, v13;
	_ =	sdelay $0x1  }
0x11c: {  	v11 =	vmul.f32 v13, v11;
	_ =	sdelay $0x1  }
0x11d: {  	v12 =	vmul.f32 v11, v12;
	_ =	sdelay $0x1  }
0x11e: {  	v12 =	vmul.f32 v12, v11;
	_ =	sdelay $0x1  }
0x11f: {  	v12 =	vsub.f32 $1.500000000e+00, v12;
	_ =	sdelay $0x1  }
0x120: {  	v11 =	vmul.f32 v12, v11;
	_ =	sdelay $0x1  }
0x121: {  	v10 =	vmul.f32 v11, v10;
	_ =	sdelay $0x1  }
0x122: {  	v10 =	vadd.f32 $9.999999960e-13, v10;
	_ =	sdelay $0x1  }
0x123: {  	(erf) = vrcp.f32 v10;
	_ =	sdelay $0x3  }
0x124: {  	v34 =	vld.idx.msk [tilespmem:v3+s3+$0x0], $0xffff  }
0x125: {  	v33 =	vld.idx.msk [tilespmem:v3+s20+$0x0], $0xffff;
	_ =	sdelay $0x1  }
0x126: {  	v3 =	vld.idx.msk [tilespmem:v3+s21+$0x0], $0xffff;
	_ =	sdelay $0x1  }
0x127: {  	v11 =	vsub.f32 v34, v4;
	v35 =	vpop (erf)  }
0x128: {  	v10 =	vsub.f32 v33, v5;
	v6 =	vmul.f32 v35, v6;
	v8 =	vmul.f32 v35, v8  }
0x129: {  	v7 =	vmul.f32 v35, v7  }
0x12a: {  	v3 =	vsub.f32 v3, v9;
	v36 =	vmul.f32 v6, v11;
	v37 =	vmul.f32 v8, v10;
	_ =	sdelay $0x1  }
0x12b: {  	v38 =	vmul.f32 v7, v3;
	v12 =	vadd.f32 v37, v36;
	_ =	sdelay $0x1  }
0x12c: {  	v12 =	vadd.f32 v12, v38;
	_ =	sdelay $0x1  }
0x12d: {  	v13 =	vmul.f32 v12, v6;
	v14 =	vmul.f32 v12, v8;
	_ =	sdelay $0x1  }
0x12e: {  	v12 =	vmul.f32 v12, v7;
	v11 =	vsub.f32 v11, v13;
	v10 =	vsub.f32 v10, v14;
	_ =	sdelay $0x1  }
0x12f: {  	v3 =	vsub.f32 v3, v12;
	v39 =	vmul.f32 v11, v11;
	v40 =	vmul.f32 v10, v10;
	_ =	sdelay $0x1  }
0x130: {  	v41 =	vmul.f32 v3, v3;
	v12 =	vadd.f32 v40, v39;
	_ =	sdelay $0x1  }
0x131: {  	v12 =	vadd.f32 v12, v41;
	_ =	sdelay $0x1  }
0x132: {  	v13 =	vmax.f32 v12, $1.000000020e-35  }
0x133: {  	v42 =	vmul.f32 $5.000000000e-01, v13;
	v13 =	vshra.s32 v13, $0x1  }
0x134: {  	v13 =	vsub.s32 $0x5F3759DF, v13  }
0x135: {  	v15 =	vmul.f32 v13, v42;
	_ =	sdelay $0x1  }
0x136: {  	v15 =	vmul.f32 v13, v15;
	_ =	sdelay $0x1  }
0x137: {  	v15 =	vsub.f32 $1.500000000e+00, v15;
	_ =	sdelay $0x1  }
0x138: {  	v13 =	vmul.f32 v13, v15;
	_ =	sdelay $0x1  }
0x139: {  	v15 =	vmul.f32 v13, v42;
	_ =	sdelay $0x1  }
0x13a: {  	v15 =	vmul.f32 v15, v13;
	_ =	sdelay $0x1  }
0x13b: {  	v15 =	vsub.f32 $1.500000000e+00, v15;
	_ =	sdelay $0x1  }
0x13c: {  	v13 =	vmul.f32 v15, v13;
	_ =	sdelay $0x1  }
0x13d: {  	v14 =	vmul.f32 v13, v42;
	_ =	sdelay $0x1  }
0x13e: {  	v14 =	vmul.f32 v14, v13;
	_ =	sdelay $0x1  }
0x13f: {  	v14 =	vsub.f32 $1.500000000e+00, v14  }
0x140: {  	v43 =	vld [tilespmem:s26+$0x7B00]  }
0x141: {  	v13 =	vmul.f32 v14, v13;
	_ =	sdelay $0x1  }
0x142: {  	v12 =	vmul.f32 v13, v12;
	_ =	sdelay $0x1  }
0x143: {  	v12 =	vadd.f32 $9.999999960e-13, v12;
	_ =	sdelay $0x1  }
0x144: {  	(erf) = vrcp.f32 v12  }
0x145: {  	v44 =	vld.idx.msk [tilespmem:v43+s3+$0x0], $0xffff  }
0x146: {  	v45 =	vld.idx.msk [tilespmem:v43+s20+$0x0], $0xffff;
	_ =	sdelay $0x1  }
0x147: {  	v46 =	vld.idx.msk [tilespmem:v43+s21+$0x0], $0xffff;
	_ =	sdelay $0x2  }
0x148: {  	v4 =	vsub.f32 v44, v4;
	v5 =	vsub.f32 v45, v5;
	_ =	sdelay $0x1  }
0x149: {  	v9 =	vsub.f32 v46, v9;
	v13 =	vmul.f32 v8, v5;
	v12 =	vmul.f32 v6, v4;
	v47 =	vpop (erf)  }
0x14a: {  	v11 =	vmul.f32 v47, v11;
	v10 =	vmul.f32 v47, v10  }
0x14b: {  	v48 =	vmul.f32 v7, v9;
	v12 =	vadd.f32 v13, v12;
	v3 =	vmul.f32 v47, v3  }
0x14c: {  	v49 =	vmul.f32 v11, v4;
	v50 =	vmul.f32 v10, v5  }
0x14d: {  	v12 =	vadd.f32 v12, v48  }
0x14e: {  	v52 =	vmul.f32 v3, v9;
	v51 =	vadd.f32 v50, v49  }
0x14f: {  	v53 =	vmul.f32 v12, v6  }
0x150: {  	v54 =	vmul.f32 v12, v8;
	v13 =	vadd.f32 v51, v52  }
0x151: {  	v12 =	vmul.f32 v12, v7;
	v4 =	vsub.f32 v4, v53  }
0x152: {  	v5 =	vsub.f32 v5, v54;
	v55 =	vmul.f32 v13, v11;
	v56 =	vmul.f32 v13, v10  }
0x153: {  	v9 =	vsub.f32 v9, v12  }
0x154: {  	v57 =	vmul.f32 v13, v3;
	v4 =	vsub.f32 v4, v55;
	v5 =	vsub.f32 v5, v56;
	_ =	sdelay $0x1  }
0x155: {  	v9 =	vsub.f32 v9, v57;
	v58 =	vmul.f32 v4, v4;
	v59 =	vmul.f32 v5, v5;
	_ =	sdelay $0x1  }
0x156: {  	v60 =	vmul.f32 v9, v9;
	v12 =	vadd.f32 v59, v58;
	_ =	sdelay $0x1  }
0x157: {  	v12 =	vadd.f32 v12, v60;
	_ =	sdelay $0x1  }
0x158: {  	v13 =	vmax.f32 v12, $1.000000020e-35  }
0x159: {  	v61 =	vmul.f32 $5.000000000e-01, v13;
	v13 =	vshra.s32 v13, $0x1  }
0x15a: {  	v13 =	vsub.s32 $0x5F3759DF, v13  }
0x15b: {  	v62 =	vmul.f32 v13, v61;
	_ =	sdelay $0x1  }
0x15c: {  	v15 =	vmul.f32 v13, v62;
	_ =	sdelay $0x1  }
0x15d: {  	v15 =	vsub.f32 $1.500000000e+00, v15;
	_ =	sdelay $0x1  }
0x15e: {  	v13 =	vmul.f32 v13, v15;
	_ =	sdelay $0x1  }
0x15f: {  	v15 =	vmul.f32 v13, v61;
	_ =	sdelay $0x1  }
0x160: {  	v15 =	vmul.f32 v15, v13;
	_ =	sdelay $0x1  }
0x161: {  	v15 =	vsub.f32 $1.500000000e+00, v15;
	_ =	sdelay $0x1  }
0x162: {  	v13 =	vmul.f32 v15, v13;
	_ =	sdelay $0x1  }
0x163: {  	v14 =	vmul.f32 v13, v61;
	_ =	sdelay $0x1  }
0x164: {  	v14 =	vmul.f32 v14, v13;
	_ =	sdelay $0x1  }
0x165: {  	v14 =	vsub.f32 $1.500000000e+00, v14;
	_ =	sdelay $0x1  }
0x166: {  	v13 =	vmul.f32 v14, v13;
	_ =	sdelay $0x1  }
0x167: {  	v12 =	vmul.f32 v13, v12;
	_ =	sdelay $0x1  }
0x168: {  	v12 =	vadd.f32 $9.999999960e-13, v12;
	_ =	sdelay $0x1  }
0x169: {  	(erf) = vrcp.f32 v12;
	_ =	sdelay $0x5  }
0x16a: {  	[tilespmem:s26+$0x7C80] =	vst v6  }
0x16b: {  	[tilespmem:s26+$0x7F80] =	vst v7  }
0x16c: {  	[tilespmem:s26+$0x7E00] =	vst v8  }
0x16d: {  	[tilespmem:s26+$0x8100] =	vst v11;
	v63 =	vpop (erf)  }
0x16e: {  	[tilespmem:s26+$0x8400] =	vst v3;
	v3 =	vmul.f32 v63, v9  }
0x16f: {  	[tilespmem:s26+$0x8280] =	vst v10;
	v4 =	vmul.f32 v63, v4  }
0x170: {  	v5 =	vmul.f32 v63, v5;
	[tilespmem:s26+$0x8880] =	vst v3  }
0x171: {  	[tilespmem:s26+$0x8580] =	vst v4  }
0x172: {  	s25 =	simm.s32 $0x7C80;
	[tilespmem:s26+$0x8700] =	vst v5  }
0x173: {  	[hbm4b:s9+s3] =	stream.linear.scatter [tilespmem:s25], [sflag:$0x1], $0x140, $0x38;
	[tilespmem:$0x8A00] =	vst v63  }
0x174: {  	_ =	swait.ge [sflag:s19], $0x140  }
0x175: {  	[sflag:s19] =	ssyncset.done $0x0  }
0x176: {  	s26 =	simm.s32 $0x7E00;
	[sflag:s19] =	ssyncadd.s32 $0xFFFFFEC0  }
0x177: {  	[hbm4b:s10+s3] =	stream.linear.scatter [tilespmem:s26], [sflag:$0x1], $0x140, $0x38;
	[tilespmem:$0x8A00] =	vst v63  }
0x178: {  	_ =	swait.ge [sflag:s19], $0x140  }
0x179: {  	[sflag:s19] =	ssyncset.done $0x0  }
0x17a: {  	[sflag:s19] =	ssyncadd.s32 $0xFFFFFEC0  }
0x17b: {  	[hbm4b:s11+s3] =	stream.linear.scatter [tilespmem:s28], [sflag:$0x1], $0x140, $0x38;
	[tilespmem:$0x8A00] =	vst v63  }
0x17c: {  	_ =	swait.ge [sflag:s19], $0x140  }
0x17d: {  	[sflag:s19] =	ssyncset.done $0x0  }
0x17e: {  	[sflag:s19] =	ssyncadd.s32 $0xFFFFFEC0  }
0x17f: {  	[hbm4b:s12+s3] =	stream.linear.scatter [tilespmem:s29], [sflag:$0x1], $0x140, $0x38;
	[tilespmem:$0x8A00] =	vst v63  }
0x180: {  	_ =	swait.ge [sflag:s19], $0x140  }
0x181: {  	[sflag:s19] =	ssyncset.done $0x0  }
0x182: {  	[sflag:s19] =	ssyncadd.s32 $0xFFFFFEC0  }
0x183: {  	[hbm4b:s13+s3] =	stream.linear.scatter [tilespmem:s30], [sflag:$0x1], $0x140, $0x38;
	[tilespmem:$0x8A00] =	vst v63  }
0x184: {  	_ =	swait.ge [sflag:s19], $0x140  }
0x185: {  	[sflag:s19] =	ssyncset.done $0x0  }
0x186: {  	[sflag:s19] =	ssyncadd.s32 $0xFFFFFEC0  }
0x187: {  	[hbm4b:s14+s3] =	stream.linear.scatter [tilespmem:s31], [sflag:$0x1], $0x140, $0x38;
	[tilespmem:$0x8A00] =	vst v63  }
0x188: {  	_ =	swait.ge [sflag:s19], $0x140  }
0x189: {  	[sflag:s19] =	ssyncset.done $0x0  }
0x18a: {  	[sflag:s19] =	ssyncadd.s32 $0xFFFFFEC0  }
0x18b: {  	[hbm4b:s15+s3] =	stream.linear.scatter [tilespmem:s1], [sflag:$0x1], $0x140, $0x38;
	[tilespmem:$0x8A00] =	vst v63  }
0x18c: {  	_ =	swait.ge [sflag:s19], $0x140  }
0x18d: {  	[sflag:s19] =	ssyncset.done $0x0  }
0x18e: {  	[sflag:s19] =	ssyncadd.s32 $0xFFFFFEC0  }
0x18f: {  	[hbm4b:s16+s3] =	stream.linear.scatter [tilespmem:s0], [sflag:$0x1], $0x140, $0x38;
	[tilespmem:$0x8A00] =	vst v63  }
0x190: {  	s22 =	sadd.s32 $0x1, s22;
	_ =	swait.ge [sflag:s19], $0x140  }
0x191: {  	p0 =	sne.s32 s22, s18;
	[sflag:s19] =	ssyncset.done $0x0  }
.Ltmp1:
0x192: {  	[sflag:s19] =	ssyncadd.s32 $0xFFFFFEC0;
	(pc) =	sbr.rel @p0 .LBB2_1-.Ltmp1, $4  }
0x193: {  	[hbm4b:s17+s3] =	stream.linear.scatter [tilespmem:s2], [sflag:$0x1], $0x140, $0x38;
	[tilespmem:$0x8A00] =	vst v63  }
0x194: {  	_ =	swait.ge [sflag:s19], $0x140  }
0x195: {  	[sflag:s19] =	ssyncset.done $0x0  }
0x196: {  	[sflag:s19] =	ssyncadd.s32 $0xFFFFFEC0  }
0x197: {  	_ =	sfence.sel $0x180000  }
0x198: {  	[bflag:$0x0] =	sbarrier.arrive $0xFFFF  }
0x199: {  	_ =	strace $0x90000047  }
0x19a: {  	s0 =	stileid.u32;
	[bflag:$0x2] =	sbarrier.arrive $0xFFFF  }
0x19b: {  	p0 =	sne.s32 s0, $0x0;
	s0 =	rddreg [dreg:$0x2]  }
0x19c: {  	s0 =	sadd.s32 @!p0 $0x100000, s0  }
0x19d: {  	[sflag:s0] =	ssyncadd.tile.s32 @!p0 $0x1;
	_ =	shalt  }
.Lfunc_end2:
_tile_overlayer_lowered:
.L_overlay_start_2:
0x19e: {  	(tag) =	ssettag $0x2  }
0x19f: {  	s0 =	rddreg [dreg:$0x0];
	s2 =	stileid.u32  }
0x1a0: {  	s1 =	rddreg [dreg:$0x1];
	p0 =	sne.s32 s2, $0x0  }
0x1a1: {  	s3 =	rddreg [dreg:$0x2];
	[bflag:$0x3] =	sbarrier.arrive $0xFFFF;
	s2 =	simm.s32 @!p0 $0x1C01  }
0x1a2: {  	[timem:s3], [sflag:s2] =	dma.local @!p0 [hbm:s0], s1  }
0x1a3: {  	s0 =	simm.s32 @!p0 $0x1  }
0x1a4: {  	_ =	swait.ge @!p0 [sflag:s0], s1  }
0x1a5: {  	s1 =	ssub.s32 @!p0 $0x0, s1;
	[sflag:s0] =	ssyncset.done @!p0 $0x0  }
0x1a6: {  	[sflag:s0] =	ssyncadd.s32 @!p0 s1  }
0x1a7: {  	[bflag:$0x3] =	sbarrier.arrive $0xFFFF  }
0x1a8: {  	_ =	shalt  }

</sc_bundles>
